<compile_context>
chip_gen: v7x
topology: tpu7x:2x2x1
jax: 0.10.2.dev20260603
libtpu: 0.0.44.dev20260713+nightly
codegen_flags: <defaults>
</compile_context>

<pallas_src>
import jax
import jax.numpy as jnp
from jax import lax
from jax.experimental import pallas as pl
from jax.experimental.pallas import tpu as pltpu
from jax.experimental.pallas import tpu_sc as plsc

NUM_MOVIES = 100000
L_OVRV, L_CAST, L_GENRE, L_PC, L_PCO = 200, 50, 5, 5, 3
D_TITLE, D_OVRV, D_DIR, D_CAST, D_GENRE, D_PC, D_PCO, D_NUM = (
    20, 20, 8, 10, 15, 10, 10, 16)
OUT_D = 109

R_TIT, R_OVRV, R_DIR, R_CAST, R_GENRE, R_PC, R_PCO, R_NUM = range(8)
OFF = {R_TIT: 0, R_OVRV: 20, R_DIR: 40, R_CAST: 48, R_GENRE: 58, R_PC: 73,
       R_PCO: 83, R_NUM: 93}
DD = {R_TIT: D_TITLE, R_OVRV: D_OVRV, R_DIR: D_DIR, R_CAST: D_CAST,
      R_GENRE: D_GENRE, R_PC: D_PC, R_PCO: D_PCO, R_NUM: D_NUM}
SCALE = {R_TIT: 1.0, R_OVRV: 1.0 / L_OVRV, R_DIR: 1.0, R_CAST: 1.0 / L_CAST,
         R_GENRE: 1.0 / L_GENRE, R_PC: 1.0 / L_PC, R_PCO: 1.0 / L_PCO,
         R_NUM: 1.0}

K_OVRV = 13
K_CAST = 4
PBLK = 256
NT = 16


def _body_a(m_hbm, title_hbm, dir_hbm, genre_hbm, pc_hbm,
            pco_hbm, num_hbm, wt_hbm, wo_hbm, wd_hbm, wc_hbm, wg_hbm, wp_hbm,
            wq_hbm, p_hbm,
            m_v, si_o, si_c, si_g, si_p, si_q, si_t, si_d, s_num,
            wr_o, wr_c, wr_g, wr_p, wr_q, wr_t, wr_d,
            part, sem1, sem2):
  cid = lax.axis_index("c")
  tid = lax.axis_index("s")

  @pl.when(cid == 0)
  def _():
    lanes = lax.broadcasted_iota(jnp.int32, (16,), 0)
    zero16f = jnp.zeros((16,), jnp.float32)

    pltpu.sync_copy(m_hbm, m_v)
    ms = jnp.max(m_v[...])
    mbase = pl.multiple_of((ms // 8) * 8, 8)
    mrv = jnp.full((16,), ms - mbase, jnp.int32)

    for r in range(8):
      plsc.store_scatter(part, [lanes + r * 32], zero16f)
      plsc.store_scatter(part, [lanes + r * 32 + 16], zero16f)
    off = pl.multiple_of(tid * PBLK, 8)
    pltpu.sync_copy(part, p_hbm.at[pl.ds(off, PBLK)])


def _body_b(p_hbm, out_hbm, p_v, out_v):
  cid = lax.axis_index("c")
  tid = lax.axis_index("s")

  @pl.when(jnp.logical_and(cid == 0, tid == 0))
  def _():
    lanes = lax.broadcasted_iota(jnp.int32, (16,), 0)
    zero16f = jnp.zeros((16,), jnp.float32)
    pltpu.sync_copy(p_hbm, p_v)
    for r in range(8):
      d, off, sc = DD[r], OFF[r], SCALE[r]
      v0 = zero16f
      v1 = zero16f
      for t in range(NT):
        base = t * PBLK + r * 32
        v0 = v0 + plsc.load_gather(p_v, [lanes + base])
        if d > 16:
          v1 = v1 + plsc.load_gather(p_v, [lanes + base + 16])
      if sc != 1.0:
        v0 = v0 * jnp.float32(sc)
        v1 = v1 * jnp.float32(sc)
      plsc.store_scatter(out_v, [jnp.minimum(lanes + off, OUT_D - 1)], v0,
                         mask=lanes < min(d, 16))
      if d > 16:
        plsc.store_scatter(out_v,
                           [jnp.minimum(lanes + off + 16, OUT_D - 1)], v1,
                           mask=lanes < d - 16)
    pltpu.sync_copy(out_v, out_hbm)


@jax.jit
def _sc_call(m, title, ovrv, director, cast, genre, pc, pco, num, wt, wo, wd,
             wc, wg, wp, wq):
  mesh = plsc.VectorSubcoreMesh(core_axis_name="c", subcore_axis_name="s")
  fa = pl.kernel(
      _body_a,
      out_type=jax.ShapeDtypeStruct((NT * PBLK,), jnp.float32),
      mesh=mesh,
      compiler_params=pltpu.CompilerParams(needs_layout_passes=False),
      scratch_types=[
          pltpu.VMEM((16,), jnp.int32),
          pltpu.VMEM((8, L_OVRV), jnp.int32),
          pltpu.VMEM((8, L_CAST), jnp.int32),
          pltpu.VMEM((8, L_GENRE), jnp.int32),
          pltpu.VMEM((8, L_PC), jnp.int32),
          pltpu.VMEM((8, L_PCO), jnp.int32),
          pltpu.VMEM((8,), jnp.int32),
          pltpu.VMEM((8,), jnp.int32),
          pltpu.VMEM((8, D_NUM), jnp.float32),
          pltpu.VMEM((K_OVRV, 8, D_OVRV), jnp.float32),
          pltpu.VMEM((K_CAST, 8, D_CAST), jnp.float32),
          pltpu.VMEM((1, 8, D_GENRE), jnp.float32),
          pltpu.VMEM((1, 8, D_PC), jnp.float32),
          pltpu.VMEM((1, 8, D_PCO), jnp.float32),
          pltpu.VMEM((1, 8, D_TITLE), jnp.float32),
          pltpu.VMEM((1, 8, D_DIR), jnp.float32),
          pltpu.VMEM((PBLK,), jnp.float32),
          pltpu.SemaphoreType.DMA((8,)),
          pltpu.SemaphoreType.DMA,
      ],
  )
  tinyf = jnp.zeros((16,), jnp.float32) + m[0]
  p = fa(m, m, m, m, m, m, tinyf, wt, wo, wd, wc, wg, wp, wq)
  fb = pl.kernel(
      _body_b,
      out_type=jax.ShapeDtypeStruct((OUT_D,), jnp.float32),
      mesh=mesh,
      compiler_params=pltpu.CompilerParams(needs_layout_passes=False),
      scratch_types=[
          pltpu.VMEM((NT * PBLK,), jnp.float32),
          pltpu.VMEM((OUT_D,), jnp.float32),
      ],
  )
  return fb(p)


def kernel(movie_ids, title, overrview, director, cast, genre,
           production_compaines, production_countries, numeric_movie_data,
           W_title, W_ovrv, W_dir, W_cast, W_genre, W_pc, W_pco):
  m = jnp.full((16,), jnp.asarray(movie_ids, jnp.int32) - 1, jnp.int32)
  return _sc_call(m, title, overrview, director, cast, genre,
                  production_compaines, production_countries,
                  numeric_movie_data, W_title, W_ovrv, W_dir, W_cast, W_genre,
                  W_pc, W_pco)

# --- scband reference (transcript-rebuilt; emitter-appended) ---
"""Pipeline reference for scband-model-7559142441691 (READ-ONLY COPY).

The authoritative reference and input builder live on the scoring server;
editing this copy changes nothing except your own understanding.
"""

import jax, jax.numpy as jnp
import numpy as np

NUM_MOVIES = 100000
L_OVRV, L_CAST, L_GENRE, L_PC, L_PCO = 200, 50, 5, 5, 3
V_TITLE, V_OVRV, V_DIR, V_CAST, V_GENRE, V_PC, V_PCO = 50000, 30000, 5000, 20000, 32, 10000, 200


def setup_inputs(seed: int = 0) -> dict:
    key = jax.random.key(seed)
    ks = jax.random.split(key, 16)
    inp = {}
    inp["movie_ids"] = 12345  # python int scalar, 1-indexed as in original
    inp["title"] = jax.random.randint(ks[0], (NUM_MOVIES,), 0, V_TITLE, dtype=jnp.int64) if jax.config.jax_enable_x64 else jax.random.randint(ks[0], (NUM_MOVIES,), 0, V_TITLE, dtype=jnp.int32)
    inp["overrview"] = jax.random.randint(ks[1], (NUM_MOVIES, L_OVRV), 0, V_OVRV, dtype=jnp.int32)
    inp["director"] = jax.random.randint(ks[2], (NUM_MOVIES,), 0, V_DIR, dtype=jnp.int32)
    inp["cast"] = jax.random.randint(ks[3], (NUM_MOVIES, L_CAST), 0, V_CAST, dtype=jnp.int32)
    inp["genre"] = jax.random.randint(ks[4], (NUM_MOVIES, L_GENRE), 0, V_GENRE, dtype=jnp.int32)
    inp["production_compaines"] = jax.random.randint(ks[5], (NUM_MOVIES, L_PC), 0, V_PC, dtype=jnp.int32)
    inp["production_countries"] = jax.random.randint(ks[6], (NUM_MOVIES, L_PCO), 0, V_PCO, dtype=jnp.int32)
    inp["numeric_movie_data"] = jax.random.normal(ks[7], (NUM_MOVIES, 16), dtype=jnp.float32)
    # learned embedding tables (torch.nn.Embedding default init ~ N(0,1))
    inp["W_title"] = jax.random.normal(ks[8], (V_TITLE, 20), dtype=jnp.float32)
    inp["W_ovrv"] = jax.random.normal(ks[9], (V_OVRV, 20), dtype=jnp.float32)
    inp["W_dir"] = jax.random.normal(ks[10], (V_DIR, 8), dtype=jnp.float32)
    inp["W_cast"] = jax.random.normal(ks[11], (V_CAST, 10), dtype=jnp.float32)
    inp["W_genre"] = jax.random.normal(ks[12], (V_GENRE, 15), dtype=jnp.float32)
    inp["W_pc"] = jax.random.normal(ks[13], (V_PC, 10), dtype=jnp.float32)
    inp["W_pco"] = jax.random.normal(ks[14], (V_PCO, 10), dtype=jnp.float32)
    return inp


def reference(movie_ids, title, overrview, director, cast, genre, production_compaines, production_countries, numeric_movie_data, W_title, W_ovrv, W_dir, W_cast, W_genre, W_pc, W_pco):
    m = movie_ids - 1
    tit = jnp.take(W_title, title[m], axis=0)
    ovrv = jnp.take(W_ovrv, overrview[m], axis=0)
    dire = jnp.take(W_dir, director[m], axis=0)
    ct = jnp.take(W_cast, cast[m], axis=0)
    gn = jnp.take(W_genre, genre[m], axis=0)
    pd_cmp = jnp.take(W_pc, production_compaines[m], axis=0)
    pd_count = jnp.take(W_pco, production_countries[m], axis=0)
    num_data = numeric_movie_data[m]
    ovrv_vec = ovrv.mean(axis=0)
    ct_vec = ct.mean(axis=0)
    gn_vec = gn.mean(axis=0)
    pd_cmp_vec = pd_cmp.mean(axis=0)
    pd_count_vec = pd_count.mean(axis=0)
    movie = jnp.concatenate((tit, ovrv_vec, dire, ct_vec, gn_vec, pd_cmp_vec, pd_count_vec, num_data), axis=-1)
    return movie

if __name__ == "__main__":
    import jax
    _d = setup_inputs()
    print(jax.jit(kernel)(*tuple(_d.values())))

</pallas_src>

<mosaic_0001>
#map = affine_map<(d0, d1) -> (0)>
module attributes {stable_mosaic.version = 14 : i64} {
  func.func @_body_b(%arg0: i32, %arg1: i32, %arg2: memref<4096xf32, #tpu.memory_space<hbm>>, %arg3: memref<109xf32, #tpu.memory_space<hbm>>, %arg4: memref<4096xf32, #tpu.memory_space<vmem>>, %arg5: memref<109xf32, #tpu.memory_space<vmem>>) attributes {dimension_semantics = [#tpu.dimension_semantics<core_parallel>, #tpu.dimension_semantics<subcore_parallel>], iteration_bounds = array<i64: 2, 16>, scalar_prefetch = 0 : i64, scratch_operands = 2 : i64, tpu.core_type = #tpu.core_type<sc_vector_subcore>, window_params = [{transform_indices = #map}, {transform_indices = #map}]} {
    %eq3A = arith.constant 0 : i32
    %eq3A_0 = arith.cmpi eq, %arg0, %eq3A : i32
    %eq3A_1 = arith.constant 0 : i32
    %eq3A_2 = arith.cmpi eq, %arg1, %eq3A_1 : i32
    %and3A = arith.andi %eq3A_0, %eq3A_2 : i1
    %convert_element_type3A = arith.extui %and3A : i1 to i32
    %cond3A = arith.constant 0 : i32
    %cond3A_3 = arith.cmpi ne, %convert_element_type3A, %cond3A : i32
    scf.if %cond3A_3 {
      %iota3A = tpu.iota {dimensions = array<i32: 0>} : vector<16xi32>
      %broadcast_in_dim3A = arith.constant 0.000000e+00 : f32
      %broadcast_in_dim3A_4 = vector.broadcast %broadcast_in_dim3A : f32 to vector<16xf32>
      "tpu.region"() ({
        %run_scoped3A = tpu.sem_alloc : memref<!tpu.dma_semaphore, #tpu.memory_space<semaphore_mem>>
        tpu.enqueue_dma source(%arg2 : memref<4096xf32, #tpu.memory_space<hbm>>) target(%arg4 : memref<4096xf32, #tpu.memory_space<vmem>>) target_semaphore(%run_scoped3A : memref<!tpu.dma_semaphore, #tpu.memory_space<semaphore_mem>>)
        tpu.wait_dma2 semaphore(%run_scoped3A : memref<!tpu.dma_semaphore, #tpu.memory_space<semaphore_mem>>) src(%arg2 : memref<4096xf32, #tpu.memory_space<hbm>>) dst(%arg4 : memref<4096xf32, #tpu.memory_space<vmem>>)
        tpu.yield
      }) : () -> ()
      %add3A = arith.constant 0 : i32
      %add3A_5 = vector.broadcast %add3A : i32 to vector<16xi32>
      %add3A_6 = arith.addi %iota3A, %add3A_5 : vector<16xi32>
      %gather3A = tpu.vector_load_idx %arg4[%add3A_6] : memref<4096xf32, #tpu.memory_space<vmem>>[vector<16xi32>], vector<16xf32>,
      %add3A_7 = arith.addf %broadcast_in_dim3A_4, %gather3A : vector<16xf32>
      %add3A_8 = arith.constant 0 : i32
      %add3A_9 = vector.broadcast %add3A_8 : i32 to vector<16xi32>
      %add3A_10 = arith.addi %iota3A, %add3A_9 : vector<16xi32>
      %add3A_11 = arith.constant 16 : i32
      %add3A_12 = vector.broadcast %add3A_11 : i32 to vector<16xi32>
      %add3A_13 = arith.addi %add3A_10, %add3A_12 : vector<16xi32>
      %gather3A_14 = tpu.vector_load_idx %arg4[%add3A_13] : memref<4096xf32, #tpu.memory_space<vmem>>[vector<16xi32>], vector<16xf32>,
      %add3A_15 = arith.addf %broadcast_in_dim3A_4, %gather3A_14 : vector<16xf32>
      %add3A_16 = arith.constant 256 : i32
      %add3A_17 = vector.broadcast %add3A_16 : i32 to vector<16xi32>
      %add3A_18 = arith.addi %iota3A, %add3A_17 : vector<16xi32>
      %gather3A_19 = tpu.vector_load_idx %arg4[%add3A_18] : memref<4096xf32, #tpu.memory_space<vmem>>[vector<16xi32>], vector<16xf32>,
      %add3A_20 = arith.addf %add3A_7, %gather3A_19 : vector<16xf32>
      %add3A_21 = arith.constant 256 : i32
      %add3A_22 = vector.broadcast %add3A_21 : i32 to vector<16xi32>
      %add3A_23 = arith.addi %iota3A, %add3A_22 : vector<16xi32>
      %add3A_24 = arith.constant 16 : i32
      %add3A_25 = vector.broadcast %add3A_24 : i32 to vector<16xi32>
      %add3A_26 = arith.addi %add3A_23, %add3A_25 : vector<16xi32>
      %gather3A_27 = tpu.vector_load_idx %arg4[%add3A_26] : memref<4096xf32, #tpu.memory_space<vmem>>[vector<16xi32>], vector<16xf32>,
      %add3A_28 = arith.addf %add3A_15, %gather3A_27 : vector<16xf32>
      %add3A_29 = arith.constant 512 : i32
      %add3A_30 = vector.broadcast %add3A_29 : i32 to vector<16xi32>
      %add3A_31 = arith.addi %iota3A, %add3A_30 : vector<16xi32>
      %gather3A_32 = tpu.vector_load_idx %arg4[%add3A_31] : memref<4096xf32, #tpu.memory_space<vmem>>[vector<16xi32>], vector<16xf32>,
      %add3A_33 = arith.addf %add3A_20, %gather3A_32 : vector<16xf32>
      %add3A_34 = arith.constant 512 : i32
      %add3A_35 = vector.broadcast %add3A_34 : i32 to vector<16xi32>
      %add3A_36 = arith.addi %iota3A, %add3A_35 : vector<16xi32>
      %add3A_37 = arith.constant 16 : i32
      %add3A_38 = vector.broadcast %add3A_37 : i32 to vector<16xi32>
      %add3A_39 = arith.addi %add3A_36, %add3A_38 : vector<16xi32>
      %gather3A_40 = tpu.vector_load_idx %arg4[%add3A_39] : memref<4096xf32, #tpu.memory_space<vmem>>[vector<16xi32>], vector<16xf32>,
      %add3A_41 = arith.addf %add3A_28, %gather3A_40 : vector<16xf32>
      %add3A_42 = arith.constant 768 : i32
      %add3A_43 = vector.broadcast %add3A_42 : i32 to vector<16xi32>
      %add3A_44 = arith.addi %iota3A, %add3A_43 : vector<16xi32>
      %gather3A_45 = tpu.vector_load_idx %arg4[%add3A_44] : memref<4096xf32, #tpu.memory_space<vmem>>[vector<16xi32>], vector<16xf32>,
      %add3A_46 = arith.addf %add3A_33, %gather3A_45 : vector<16xf32>
      %add3A_47 = arith.constant 768 : i32
      %add3A_48 = vector.broadcast %add3A_47 : i32 to vector<16xi32>
      %add3A_49 = arith.addi %iota3A, %add3A_48 : vector<16xi32>
      %add3A_50 = arith.constant 16 : i32
      %add3A_51 = vector.broadcast %add3A_50 : i32 to vector<16xi32>
      %add3A_52 = arith.addi %add3A_49, %add3A_51 : vector<16xi32>
      %gather3A_53 = tpu.vector_load_idx %arg4[%add3A_52] : memref<4096xf32, #tpu.memory_space<vmem>>[vector<16xi32>], vector<16xf32>,
      %add3A_54 = arith.addf %add3A_41, %gather3A_53 : vector<16xf32>
      %add3A_55 = arith.constant 1024 : i32
      %add3A_56 = vector.broadcast %add3A_55 : i32 to vector<16xi32>
      %add3A_57 = arith.addi %iota3A, %add3A_56 : vector<16xi32>
      %gather3A_58 = tpu.vector_load_idx %arg4[%add3A_57] : memref<4096xf32, #tpu.memory_space<vmem>>[vector<16xi32>], vector<16xf32>,
      %add3A_59 = arith.addf %add3A_46, %gather3A_58 : vector<16xf32>
      %add3A_60 = arith.constant 1024 : i32
      %add3A_61 = vector.broadcast %add3A_60 : i32 to vector<16xi32>
      %add3A_62 = arith.addi %iota3A, %add3A_61 : vector<16xi32>
      %add3A_63 = arith.constant 16 : i32
      %add3A_64 = vector.broadcast %add3A_63 : i32 to vector<16xi32>
      %add3A_65 = arith.addi %add3A_62, %add3A_64 : vector<16xi32>
      %gather3A_66 = tpu.vector_load_idx %arg4[%add3A_65] : memref<4096xf32, #tpu.memory_space<vmem>>[vector<16xi32>], vector<16xf32>,
      %add3A_67 = arith.addf %add3A_54, %gather3A_66 : vector<16xf32>
      %add3A_68 = arith.constant 1280 : i32
      %add3A_69 = vector.broadcast %add3A_68 : i32 to vector<16xi32>
      %add3A_70 = arith.addi %iota3A, %add3A_69 : vector<16xi32>
      %gather3A_71 = tpu.vector_load_idx %arg4[%add3A_70] : memref<4096xf32, #tpu.memory_space<vmem>>[vector<16xi32>], vector<16xf32>,
      %add3A_72 = arith.addf %add3A_59, %gather3A_71 : vector<16xf32>
      %add3A_73 = arith.constant 1280 : i32
      %add3A_74 = vector.broadcast %add3A_73 : i32 to vector<16xi32>
      %add3A_75 = arith.addi %iota3A, %add3A_74 : vector<16xi32>
      %add3A_76 = arith.constant 16 : i32
      %add3A_77 = vector.broadcast %add3A_76 : i32 to vector<16xi32>
      %add3A_78 = arith.addi %add3A_75, %add3A_77 : vector<16xi32>
      %gather3A_79 = tpu.vector_load_idx %arg4[%add3A_78] : memref<4096xf32, #tpu.memory_space<vmem>>[vector<16xi32>], vector<16xf32>,
      %add3A_80 = arith.addf %add3A_67, %gather3A_79 : vector<16xf32>
      %add3A_81 = arith.constant 1536 : i32
      %add3A_82 = vector.broadcast %add3A_81 : i32 to vector<16xi32>
      %add3A_83 = arith.addi %iota3A, %add3A_82 : vector<16xi32>
      %gather3A_84 = tpu.vector_load_idx %arg4[%add3A_83] : memref<4096xf32, #tpu.memory_space<vmem>>[vector<16xi32>], vector<16xf32>,
      %add3A_85 = arith.addf %add3A_72, %gather3A_84 : vector<16xf32>
      %add3A_86 = arith.constant 1536 : i32
      %add3A_87 = vector.broadcast %add3A_86 : i32 to vector<16xi32>
      %add3A_88 = arith.addi %iota3A, %add3A_87 : vector<16xi32>
      %add3A_89 = arith.constant 16 : i32
      %add3A_90 = vector.broadcast %add3A_89 : i32 to vector<16xi32>
      %add3A_91 = arith.addi %add3A_88, %add3A_90 : vector<16xi32>
      %gather3A_92 = tpu.vector_load_idx %arg4[%add3A_91] : memref<4096xf32, #tpu.memory_space<vmem>>[vector<16xi32>], vector<16xf32>,
      %add3A_93 = arith.addf %add3A_80, %gather3A_92 : vector<16xf32>
      %add3A_94 = arith.constant 1792 : i32
      %add3A_95 = vector.broadcast %add3A_94 : i32 to vector<16xi32>
      %add3A_96 = arith.addi %iota3A, %add3A_95 : vector<16xi32>
      %gather3A_97 = tpu.vector_load_idx %arg4[%add3A_96] : memref<4096xf32, #tpu.memory_space<vmem>>[vector<16xi32>], vector<16xf32>,
      %add3A_98 = arith.addf %add3A_85, %gather3A_97 : vector<16xf32>
      %add3A_99 = arith.constant 1792 : i32
      %add3A_100 = vector.broadcast %add3A_99 : i32 to vector<16xi32>
      %add3A_101 = arith.addi %iota3A, %add3A_100 : vector<16xi32>
      %add3A_102 = arith.constant 16 : i32
      %add3A_103 = vector.broadcast %add3A_102 : i32 to vector<16xi32>
      %add3A_104 = arith.addi %add3A_101, %add3A_103 : vector<16xi32>
      %gather3A_105 = tpu.vector_load_idx %arg4[%add3A_104] : memref<4096xf32, #tpu.memory_space<vmem>>[vector<16xi32>], vector<16xf32>,
      %add3A_106 = arith.addf %add3A_93, %gather3A_105 : vector<16xf32>
      %add3A_107 = arith.constant 2048 : i32
      %add3A_108 = vector.broadcast %add3A_107 : i32 to vector<16xi32>
      %add3A_109 = arith.addi %iota3A, %add3A_108 : vector<16xi32>
      %gather3A_110 = tpu.vector_load_idx %arg4[%add3A_109] : memref<4096xf32, #tpu.memory_space<vmem>>[vector<16xi32>], vector<16xf32>,
      %add3A_111 = arith.addf %add3A_98, %gather3A_110 : vector<16xf32>
      %add3A_112 = arith.constant 2048 : i32
      %add3A_113 = vector.broadcast %add3A_112 : i32 to vector<16xi32>
      %add3A_114 = arith.addi %iota3A, %add3A_113 : vector<16xi32>
      %add3A_115 = arith.constant 16 : i32
      %add3A_116 = vector.broadcast %add3A_115 : i32 to vector<16xi32>
      %add3A_117 = arith.addi %add3A_114, %add3A_116 : vector<16xi32>
      %gather3A_118 = tpu.vector_load_idx %arg4[%add3A_117] : memref<4096xf32, #tpu.memory_space<vmem>>[vector<16xi32>], vector<16xf32>,
      %add3A_119 = arith.addf %add3A_106, %gather3A_118 : vector<16xf32>
      %add3A_120 = arith.constant 2304 : i32
      %add3A_121 = vector.broadcast %add3A_120 : i32 to vector<16xi32>
      %add3A_122 = arith.addi %iota3A, %add3A_121 : vector<16xi32>
      %gather3A_123 = tpu.vector_load_idx %arg4[%add3A_122] : memref<4096xf32, #tpu.memory_space<vmem>>[vector<16xi32>], vector<16xf32>,
      %add3A_124 = arith.addf %add3A_111, %gather3A_123 : vector<16xf32>
      %add3A_125 = arith.constant 2304 : i32
      %add3A_126 = vector.broadcast %add3A_125 : i32 to vector<16xi32>
      %add3A_127 = arith.addi %iota3A, %add3A_126 : vector<16xi32>
      %add3A_128 = arith.constant 16 : i32
      %add3A_129 = vector.broadcast %add3A_128 : i32 to vector<16xi32>
      %add3A_130 = arith.addi %add3A_127, %add3A_129 : vector<16xi32>
      %gather3A_131 = tpu.vector_load_idx %arg4[%add3A_130] : memref<4096xf32, #tpu.memory_space<vmem>>[vector<16xi32>], vector<16xf32>,
      %add3A_132 = arith.addf %add3A_119, %gather3A_131 : vector<16xf32>
      %add3A_133 = arith.constant 2560 : i32
      %add3A_134 = vector.broadcast %add3A_133 : i32 to vector<16xi32>
      %add3A_135 = arith.addi %iota3A, %add3A_134 : vector<16xi32>
      %gather3A_136 = tpu.vector_load_idx %arg4[%add3A_135] : memref<4096xf32, #tpu.memory_space<vmem>>[vector<16xi32>], vector<16xf32>,
      %add3A_137 = arith.addf %add3A_124, %gather3A_136 : vector<16xf32>
      %add3A_138 = arith.constant 2560 : i32
      %add3A_139 = vector.broadcast %add3A_138 : i32 to vector<16xi32>
      %add3A_140 = arith.addi %iota3A, %add3A_139 : vector<16xi32>
      %add3A_141 = arith.constant 16 : i32
      %add3A_142 = vector.broadcast %add3A_141 : i32 to vector<16xi32>
      %add3A_143 = arith.addi %add3A_140, %add3A_142 : vector<16xi32>
      %gather3A_144 = tpu.vector_load_idx %arg4[%add3A_143] : memref<4096xf32, #tpu.memory_space<vmem>>[vector<16xi32>], vector<16xf32>,
      %add3A_145 = arith.addf %add3A_132, %gather3A_144 : vector<16xf32>
      %add3A_146 = arith.constant 2816 : i32
      %add3A_147 = vector.broadcast %add3A_146 : i32 to vector<16xi32>
      %add3A_148 = arith.addi %iota3A, %add3A_147 : vector<16xi32>
      %gather3A_149 = tpu.vector_load_idx %arg4[%add3A_148] : memref<4096xf32, #tpu.memory_space<vmem>>[vector<16xi32>], vector<16xf32>,
      %add3A_150 = arith.addf %add3A_137, %gather3A_149 : vector<16xf32>
      %add3A_151 = arith.constant 2816 : i32
      %add3A_152 = vector.broadcast %add3A_151 : i32 to vector<16xi32>
      %add3A_153 = arith.addi %iota3A, %add3A_152 : vector<16xi32>
      %add3A_154 = arith.constant 16 : i32
      %add3A_155 = vector.broadcast %add3A_154 : i32 to vector<16xi32>
      %add3A_156 = arith.addi %add3A_153, %add3A_155 : vector<16xi32>
      %gather3A_157 = tpu.vector_load_idx %arg4[%add3A_156] : memref<4096xf32, #tpu.memory_space<vmem>>[vector<16xi32>], vector<16xf32>,
      %add3A_158 = arith.addf %add3A_145, %gather3A_157 : vector<16xf32>
      %add3A_159 = arith.constant 3072 : i32
      %add3A_160 = vector.broadcast %add3A_159 : i32 to vector<16xi32>
      %add3A_161 = arith.addi %iota3A, %add3A_160 : vector<16xi32>
      %gather3A_162 = tpu.vector_load_idx %arg4[%add3A_161] : memref<4096xf32, #tpu.memory_space<vmem>>[vector<16xi32>], vector<16xf32>,
      %add3A_163 = arith.addf %add3A_150, %gather3A_162 : vector<16xf32>
      %add3A_164 = arith.constant 3072 : i32
      %add3A_165 = vector.broadcast %add3A_164 : i32 to vector<16xi32>
      %add3A_166 = arith.addi %iota3A, %add3A_165 : vector<16xi32>
      %add3A_167 = arith.constant 16 : i32
      %add3A_168 = vector.broadcast %add3A_167 : i32 to vector<16xi32>
      %add3A_169 = arith.addi %add3A_166, %add3A_168 : vector<16xi32>
      %gather3A_170 = tpu.vector_load_idx %arg4[%add3A_169] : memref<4096xf32, #tpu.memory_space<vmem>>[vector<16xi32>], vector<16xf32>,
      %add3A_171 = arith.addf %add3A_158, %gather3A_170 : vector<16xf32>
      %add3A_172 = arith.constant 3328 : i32
      %add3A_173 = vector.broadcast %add3A_172 : i32 to vector<16xi32>
      %add3A_174 = arith.addi %iota3A, %add3A_173 : vector<16xi32>
      %gather3A_175 = tpu.vector_load_idx %arg4[%add3A_174] : memref<4096xf32, #tpu.memory_space<vmem>>[vector<16xi32>], vector<16xf32>,
      %add3A_176 = arith.addf %add3A_163, %gather3A_175 : vector<16xf32>
      %add3A_177 = arith.constant 3328 : i32
      %add3A_178 = vector.broadcast %add3A_177 : i32 to vector<16xi32>
      %add3A_179 = arith.addi %iota3A, %add3A_178 : vector<16xi32>
      %add3A_180 = arith.constant 16 : i32
      %add3A_181 = vector.broadcast %add3A_180 : i32 to vector<16xi32>
      %add3A_182 = arith.addi %add3A_179, %add3A_181 : vector<16xi32>
      %gather3A_183 = tpu.vector_load_idx %arg4[%add3A_182] : memref<4096xf32, #tpu.memory_space<vmem>>[vector<16xi32>], vector<16xf32>,
      %add3A_184 = arith.addf %add3A_171, %gather3A_183 : vector<16xf32>
      %add3A_185 = arith.constant 3584 : i32
      %add3A_186 = vector.broadcast %add3A_185 : i32 to vector<16xi32>
      %add3A_187 = arith.addi %iota3A, %add3A_186 : vector<16xi32>
      %gather3A_188 = tpu.vector_load_idx %arg4[%add3A_187] : memref<4096xf32, #tpu.memory_space<vmem>>[vector<16xi32>], vector<16xf32>,
      %add3A_189 = arith.addf %add3A_176, %gather3A_188 : vector<16xf32>
      %add3A_190 = arith.constant 3584 : i32
      %add3A_191 = vector.broadcast %add3A_190 : i32 to vector<16xi32>
      %add3A_192 = arith.addi %iota3A, %add3A_191 : vector<16xi32>
      %add3A_193 = arith.constant 16 : i32
      %add3A_194 = vector.broadcast %add3A_193 : i32 to vector<16xi32>
      %add3A_195 = arith.addi %add3A_192, %add3A_194 : vector<16xi32>
      %gather3A_196 = tpu.vector_load_idx %arg4[%add3A_195] : memref<4096xf32, #tpu.memory_space<vmem>>[vector<16xi32>], vector<16xf32>,
      %add3A_197 = arith.addf %add3A_184, %gather3A_196 : vector<16xf32>
      %add3A_198 = arith.constant 3840 : i32
      %add3A_199 = vector.broadcast %add3A_198 : i32 to vector<16xi32>
      %add3A_200 = arith.addi %iota3A, %add3A_199 : vector<16xi32>
      %gather3A_201 = tpu.vector_load_idx %arg4[%add3A_200] : memref<4096xf32, #tpu.memory_space<vmem>>[vector<16xi32>], vector<16xf32>,
      %add3A_202 = arith.addf %add3A_189, %gather3A_201 : vector<16xf32>
      %add3A_203 = arith.constant 3840 : i32
      %add3A_204 = vector.broadcast %add3A_203 : i32 to vector<16xi32>
      %add3A_205 = arith.addi %iota3A, %add3A_204 : vector<16xi32>
      %add3A_206 = arith.constant 16 : i32
      %add3A_207 = vector.broadcast %add3A_206 : i32 to vector<16xi32>
      %add3A_208 = arith.addi %add3A_205, %add3A_207 : vector<16xi32>
      %gather3A_209 = tpu.vector_load_idx %arg4[%add3A_208] : memref<4096xf32, #tpu.memory_space<vmem>>[vector<16xi32>], vector<16xf32>,
      %add3A_210 = arith.addf %add3A_197, %gather3A_209 : vector<16xf32>
      %add3A_211 = arith.constant 0 : i32
      %add3A_212 = vector.broadcast %add3A_211 : i32 to vector<16xi32>
      %add3A_213 = arith.addi %iota3A, %add3A_212 : vector<16xi32>
      %min3A = arith.constant 108 : i32
      %min3A_214 = vector.broadcast %min3A : i32 to vector<16xi32>
      %min3A_215 = arith.minsi %add3A_213, %min3A_214 : vector<16xi32>
      %lt3A = arith.constant 16 : i32
      %lt3A_216 = vector.broadcast %lt3A : i32 to vector<16xi32>
      %lt3A_217 = arith.cmpi slt, %iota3A, %lt3A_216 : vector<16xi32>
      tpu.vector_store_idx %arg5[%min3A_215], %add3A_202 masked %lt3A_217 : memref<109xf32, #tpu.memory_space<vmem>>[vector<16xi32>], vector<16xf32>, vector<16xi1>
      %add3A_218 = arith.constant 0 : i32
      %add3A_219 = vector.broadcast %add3A_218 : i32 to vector<16xi32>
      %add3A_220 = arith.addi %iota3A, %add3A_219 : vector<16xi32>
      %add3A_221 = arith.constant 16 : i32
      %add3A_222 = vector.broadcast %add3A_221 : i32 to vector<16xi32>
      %add3A_223 = arith.addi %add3A_220, %add3A_222 : vector<16xi32>
      %min3A_224 = arith.constant 108 : i32
      %min3A_225 = vector.broadcast %min3A_224 : i32 to vector<16xi32>
      %min3A_226 = arith.minsi %add3A_223, %min3A_225 : vector<16xi32>
      %lt3A_227 = arith.constant 4 : i32
      %lt3A_228 = vector.broadcast %lt3A_227 : i32 to vector<16xi32>
      %lt3A_229 = arith.cmpi slt, %iota3A, %lt3A_228 : vector<16xi32>
      tpu.vector_store_idx %arg5[%min3A_226], %add3A_210 masked %lt3A_229 : memref<109xf32, #tpu.memory_space<vmem>>[vector<16xi32>], vector<16xf32>, vector<16xi1>
      %add3A_230 = arith.constant 32 : i32
      %add3A_231 = vector.broadcast %add3A_230 : i32 to vector<16xi32>
      %add3A_232 = arith.addi %iota3A, %add3A_231 : vector<16xi32>
      %gather3A_233 = tpu.vector_load_idx %arg4[%add3A_232] : memref<4096xf32, #tpu.memory_space<vmem>>[vector<16xi32>], vector<16xf32>,
      %add3A_234 = arith.addf %broadcast_in_dim3A_4, %gather3A_233 : vector<16xf32>
      %add3A_235 = arith.constant 32 : i32
      %add3A_236 = vector.broadcast %add3A_235 : i32 to vector<16xi32>
      %add3A_237 = arith.addi %iota3A, %add3A_236 : vector<16xi32>
      %add3A_238 = arith.constant 16 : i32
      %add3A_239 = vector.broadcast %add3A_238 : i32 to vector<16xi32>
      %add3A_240 = arith.addi %add3A_237, %add3A_239 : vector<16xi32>
      %gather3A_241 = tpu.vector_load_idx %arg4[%add3A_240] : memref<4096xf32, #tpu.memory_space<vmem>>[vector<16xi32>], vector<16xf32>,
      %add3A_242 = arith.addf %broadcast_in_dim3A_4, %gather3A_241 : vector<16xf32>
      %add3A_243 = arith.constant 288 : i32
      %add3A_244 = vector.broadcast %add3A_243 : i32 to vector<16xi32>
      %add3A_245 = arith.addi %iota3A, %add3A_244 : vector<16xi32>
      %gather3A_246 = tpu.vector_load_idx %arg4[%add3A_245] : memref<4096xf32, #tpu.memory_space<vmem>>[vector<16xi32>], vector<16xf32>,
      %add3A_247 = arith.addf %add3A_234, %gather3A_246 : vector<16xf32>
      %add3A_248 = arith.constant 288 : i32
      %add3A_249 = vector.broadcast %add3A_248 : i32 to vector<16xi32>
      %add3A_250 = arith.addi %iota3A, %add3A_249 : vector<16xi32>
      %add3A_251 = arith.constant 16 : i32
      %add3A_252 = vector.broadcast %add3A_251 : i32 to vector<16xi32>
      %add3A_253 = arith.addi %add3A_250, %add3A_252 : vector<16xi32>
      %gather3A_254 = tpu.vector_load_idx %arg4[%add3A_253] : memref<4096xf32, #tpu.memory_space<vmem>>[vector<16xi32>], vector<16xf32>,
      %add3A_255 = arith.addf %add3A_242, %gather3A_254 : vector<16xf32>
      %add3A_256 = arith.constant 544 : i32
      %add3A_257 = vector.broadcast %add3A_256 : i32 to vector<16xi32>
      %add3A_258 = arith.addi %iota3A, %add3A_257 : vector<16xi32>
      %gather3A_259 = tpu.vector_load_idx %arg4[%add3A_258] : memref<4096xf32, #tpu.memory_space<vmem>>[vector<16xi32>], vector<16xf32>,
      %add3A_260 = arith.addf %add3A_247, %gather3A_259 : vector<16xf32>
      %add3A_261 = arith.constant 544 : i32
      %add3A_262 = vector.broadcast %add3A_261 : i32 to vector<16xi32>
      %add3A_263 = arith.addi %iota3A, %add3A_262 : vector<16xi32>
      %add3A_264 = arith.constant 16 : i32
      %add3A_265 = vector.broadcast %add3A_264 : i32 to vector<16xi32>
      %add3A_266 = arith.addi %add3A_263, %add3A_265 : vector<16xi32>
      %gather3A_267 = tpu.vector_load_idx %arg4[%add3A_266] : memref<4096xf32, #tpu.memory_space<vmem>>[vector<16xi32>], vector<16xf32>,
      %add3A_268 = arith.addf %add3A_255, %gather3A_267 : vector<16xf32>
      %add3A_269 = arith.constant 800 : i32
      %add3A_270 = vector.broadcast %add3A_269 : i32 to vector<16xi32>
      %add3A_271 = arith.addi %iota3A, %add3A_270 : vector<16xi32>
      %gather3A_272 = tpu.vector_load_idx %arg4[%add3A_271] : memref<4096xf32, #tpu.memory_space<vmem>>[vector<16xi32>], vector<16xf32>,
      %add3A_273 = arith.addf %add3A_260, %gather3A_272 : vector<16xf32>
      %add3A_274 = arith.constant 800 : i32
      %add3A_275 = vector.broadcast %add3A_274 : i32 to vector<16xi32>
      %add3A_276 = arith.addi %iota3A, %add3A_275 : vector<16xi32>
      %add3A_277 = arith.constant 16 : i32
      %add3A_278 = vector.broadcast %add3A_277 : i32 to vector<16xi32>
      %add3A_279 = arith.addi %add3A_276, %add3A_278 : vector<16xi32>
      %gather3A_280 = tpu.vector_load_idx %arg4[%add3A_279] : memref<4096xf32, #tpu.memory_space<vmem>>[vector<16xi32>], vector<16xf32>,
      %add3A_281 = arith.addf %add3A_268, %gather3A_280 : vector<16xf32>
      %add3A_282 = arith.constant 1056 : i32
      %add3A_283 = vector.broadcast %add3A_282 : i32 to vector<16xi32>
      %add3A_284 = arith.addi %iota3A, %add3A_283 : vector<16xi32>
      %gather3A_285 = tpu.vector_load_idx %arg4[%add3A_284] : memref<4096xf32, #tpu.memory_space<vmem>>[vector<16xi32>], vector<16xf32>,
      %add3A_286 = arith.addf %add3A_273, %gather3A_285 : vector<16xf32>
      %add3A_287 = arith.constant 1056 : i32
      %add3A_288 = vector.broadcast %add3A_287 : i32 to vector<16xi32>
      %add3A_289 = arith.addi %iota3A, %add3A_288 : vector<16xi32>
      %add3A_290 = arith.constant 16 : i32
      %add3A_291 = vector.broadcast %add3A_290 : i32 to vector<16xi32>
      %add3A_292 = arith.addi %add3A_289, %add3A_291 : vector<16xi32>
      %gather3A_293 = tpu.vector_load_idx %arg4[%add3A_292] : memref<4096xf32, #tpu.memory_space<vmem>>[vector<16xi32>], vector<16xf32>,
      %add3A_294 = arith.addf %add3A_281, %gather3A_293 : vector<16xf32>
      %add3A_295 = arith.constant 1312 : i32
      %add3A_296 = vector.broadcast %add3A_295 : i32 to vector<16xi32>
      %add3A_297 = arith.addi %iota3A, %add3A_296 : vector<16xi32>
      %gather3A_298 = tpu.vector_load_idx %arg4[%add3A_297] : memref<4096xf32, #tpu.memory_space<vmem>>[vector<16xi32>], vector<16xf32>,
      %add3A_299 = arith.addf %add3A_286, %gather3A_298 : vector<16xf32>
      %add3A_300 = arith.constant 1312 : i32
      %add3A_301 = vector.broadcast %add3A_300 : i32 to vector<16xi32>
      %add3A_302 = arith.addi %iota3A, %add3A_301 : vector<16xi32>
      %add3A_303 = arith.constant 16 : i32
      %add3A_304 = vector.broadcast %add3A_303 : i32 to vector<16xi32>
      %add3A_305 = arith.addi %add3A_302, %add3A_304 : vector<16xi32>
      %gather3A_306 = tpu.vector_load_idx %arg4[%add3A_305] : memref<4096xf32, #tpu.memory_space<vmem>>[vector<16xi32>], vector<16xf32>,
      %add3A_307 = arith.addf %add3A_294, %gather3A_306 : vector<16xf32>
      %add3A_308 = arith.constant 1568 : i32
      %add3A_309 = vector.broadcast %add3A_308 : i32 to vector<16xi32>
      %add3A_310 = arith.addi %iota3A, %add3A_309 : vector<16xi32>
      %gather3A_311 = tpu.vector_load_idx %arg4[%add3A_310] : memref<4096xf32, #tpu.memory_space<vmem>>[vector<16xi32>], vector<16xf32>,
      %add3A_312 = arith.addf %add3A_299, %gather3A_311 : vector<16xf32>
      %add3A_313 = arith.constant 1568 : i32
      %add3A_314 = vector.broadcast %add3A_313 : i32 to vector<16xi32>
      %add3A_315 = arith.addi %iota3A, %add3A_314 : vector<16xi32>
      %add3A_316 = arith.constant 16 : i32
      %add3A_317 = vector.broadcast %add3A_316 : i32 to vector<16xi32>
      %add3A_318 = arith.addi %add3A_315, %add3A_317 : vector<16xi32>
      %gather3A_319 = tpu.vector_load_idx %arg4[%add3A_318] : memref<4096xf32, #tpu.memory_space<vmem>>[vector<16xi32>], vector<16xf32>,
      %add3A_320 = arith.addf %add3A_307, %gather3A_319 : vector<16xf32>
      %add3A_321 = arith.constant 1824 : i32
      %add3A_322 = vector.broadcast %add3A_321 : i32 to vector<16xi32>
      %add3A_323 = arith.addi %iota3A, %add3A_322 : vector<16xi32>
      %gather3A_324 = tpu.vector_load_idx %arg4[%add3A_323] : memref<4096xf32, #tpu.memory_space<vmem>>[vector<16xi32>], vector<16xf32>,
      %add3A_325 = arith.addf %add3A_312, %gather3A_324 : vector<16xf32>
      %add3A_326 = arith.constant 1824 : i32
      %add3A_327 = vector.broadcast %add3A_326 : i32 to vector<16xi32>
      %add3A_328 = arith.addi %iota3A, %add3A_327 : vector<16xi32>
      %add3A_329 = arith.constant 16 : i32
      %add3A_330 = vector.broadcast %add3A_329 : i32 to vector<16xi32>
      %add3A_331 = arith.addi %add3A_328, %add3A_330 : vector<16xi32>
      %gather3A_332 = tpu.vector_load_idx %arg4[%add3A_331] : memref<4096xf32, #tpu.memory_space<vmem>>[vector<16xi32>], vector<16xf32>,
      %add3A_333 = arith.addf %add3A_320, %gather3A_332 : vector<16xf32>
      %add3A_334 = arith.constant 2080 : i32
      %add3A_335 = vector.broadcast %add3A_334 : i32 to vector<16xi32>
      %add3A_336 = arith.addi %iota3A, %add3A_335 : vector<16xi32>
      %gather3A_337 = tpu.vector_load_idx %arg4[%add3A_336] : memref<4096xf32, #tpu.memory_space<vmem>>[vector<16xi32>], vector<16xf32>,
      %add3A_338 = arith.addf %add3A_325, %gather3A_337 : vector<16xf32>
      %add3A_339 = arith.constant 2080 : i32
      %add3A_340 = vector.broadcast %add3A_339 : i32 to vector<16xi32>
      %add3A_341 = arith.addi %iota3A, %add3A_340 : vector<16xi32>
      %add3A_342 = arith.constant 16 : i32
      %add3A_343 = vector.broadcast %add3A_342 : i32 to vector<16xi32>
      %add3A_344 = arith.addi %add3A_341, %add3A_343 : vector<16xi32>
      %gather3A_345 = tpu.vector_load_idx %arg4[%add3A_344] : memref<4096xf32, #tpu.memory_space<vmem>>[vector<16xi32>], vector<16xf32>,
      %add3A_346 = arith.addf %add3A_333, %gather3A_345 : vector<16xf32>
      %add3A_347 = arith.constant 2336 : i32
      %add3A_348 = vector.broadcast %add3A_347 : i32 to vector<16xi32>
      %add3A_349 = arith.addi %iota3A, %add3A_348 : vector<16xi32>
      %gather3A_350 = tpu.vector_load_idx %arg4[%add3A_349] : memref<4096xf32, #tpu.memory_space<vmem>>[vector<16xi32>], vector<16xf32>,
      %add3A_351 = arith.addf %add3A_338, %gather3A_350 : vector<16xf32>
      %add3A_352 = arith.constant 2336 : i32
      %add3A_353 = vector.broadcast %add3A_352 : i32 to vector<16xi32>
      %add3A_354 = arith.addi %iota3A, %add3A_353 : vector<16xi32>
      %add3A_355 = arith.constant 16 : i32
      %add3A_356 = vector.broadcast %add3A_355 : i32 to vector<16xi32>
      %add3A_357 = arith.addi %add3A_354, %add3A_356 : vector<16xi32>
      %gather3A_358 = tpu.vector_load_idx %arg4[%add3A_357] : memref<4096xf32, #tpu.memory_space<vmem>>[vector<16xi32>], vector<16xf32>,
      %add3A_359 = arith.addf %add3A_346, %gather3A_358 : vector<16xf32>
      %add3A_360 = arith.constant 2592 : i32
      %add3A_361 = vector.broadcast %add3A_360 : i32 to vector<16xi32>
      %add3A_362 = arith.addi %iota3A, %add3A_361 : vector<16xi32>
      %gather3A_363 = tpu.vector_load_idx %arg4[%add3A_362] : memref<4096xf32, #tpu.memory_space<vmem>>[vector<16xi32>], vector<16xf32>,
      %add3A_364 = arith.addf %add3A_351, %gather3A_363 : vector<16xf32>
      %add3A_365 = arith.constant 2592 : i32
      %add3A_366 = vector.broadcast %add3A_365 : i32 to vector<16xi32>
      %add3A_367 = arith.addi %iota3A, %add3A_366 : vector<16xi32>
      %add3A_368 = arith.constant 16 : i32
      %add3A_369 = vector.broadcast %add3A_368 : i32 to vector<16xi32>
      %add3A_370 = arith.addi %add3A_367, %add3A_369 : vector<16xi32>
      %gather3A_371 = tpu.vector_load_idx %arg4[%add3A_370] : memref<4096xf32, #tpu.memory_space<vmem>>[vector<16xi32>], vector<16xf32>,
      %add3A_372 = arith.addf %add3A_359, %gather3A_371 : vector<16xf32>
      %add3A_373 = arith.constant 2848 : i32
      %add3A_374 = vector.broadcast %add3A_373 : i32 to vector<16xi32>
      %add3A_375 = arith.addi %iota3A, %add3A_374 : vector<16xi32>
      %gather3A_376 = tpu.vector_load_idx %arg4[%add3A_375] : memref<4096xf32, #tpu.memory_space<vmem>>[vector<16xi32>], vector<16xf32>,
      %add3A_377 = arith.addf %add3A_364, %gather3A_376 : vector<16xf32>
      %add3A_378 = arith.constant 2848 : i32
      %add3A_379 = vector.broadcast %add3A_378 : i32 to vector<16xi32>
      %add3A_380 = arith.addi %iota3A, %add3A_379 : vector<16xi32>
      %add3A_381 = arith.constant 16 : i32
      %add3A_382 = vector.broadcast %add3A_381 : i32 to vector<16xi32>
      %add3A_383 = arith.addi %add3A_380, %add3A_382 : vector<16xi32>
      %gather3A_384 = tpu.vector_load_idx %arg4[%add3A_383] : memref<4096xf32, #tpu.memory_space<vmem>>[vector<16xi32>], vector<16xf32>,
      %add3A_385 = arith.addf %add3A_372, %gather3A_384 : vector<16xf32>
      %add3A_386 = arith.constant 3104 : i32
      %add3A_387 = vector.broadcast %add3A_386 : i32 to vector<16xi32>
      %add3A_388 = arith.addi %iota3A, %add3A_387 : vector<16xi32>
      %gather3A_389 = tpu.vector_load_idx %arg4[%add3A_388] : memref<4096xf32, #tpu.memory_space<vmem>>[vector<16xi32>], vector<16xf32>,
      %add3A_390 = arith.addf %add3A_377, %gather3A_389 : vector<16xf32>
      %add3A_391 = arith.constant 3104 : i32
      %add3A_392 = vector.broadcast %add3A_391 : i32 to vector<16xi32>
      %add3A_393 = arith.addi %iota3A, %add3A_392 : vector<16xi32>
      %add3A_394 = arith.constant 16 : i32
      %add3A_395 = vector.broadcast %add3A_394 : i32 to vector<16xi32>
      %add3A_396 = arith.addi %add3A_393, %add3A_395 : vector<16xi32>
      %gather3A_397 = tpu.vector_load_idx %arg4[%add3A_396] : memref<4096xf32, #tpu.memory_space<vmem>>[vector<16xi32>], vector<16xf32>,
      %add3A_398 = arith.addf %add3A_385, %gather3A_397 : vector<16xf32>
      %add3A_399 = arith.constant 3360 : i32
      %add3A_400 = vector.broadcast %add3A_399 : i32 to vector<16xi32>
      %add3A_401 = arith.addi %iota3A, %add3A_400 : vector<16xi32>
      %gather3A_402 = tpu.vector_load_idx %arg4[%add3A_401] : memref<4096xf32, #tpu.memory_space<vmem>>[vector<16xi32>], vector<16xf32>,
      %add3A_403 = arith.addf %add3A_390, %gather3A_402 : vector<16xf32>
      %add3A_404 = arith.constant 3360 : i32
      %add3A_405 = vector.broadcast %add3A_404 : i32 to vector<16xi32>
      %add3A_406 = arith.addi %iota3A, %add3A_405 : vector<16xi32>
      %add3A_407 = arith.constant 16 : i32
      %add3A_408 = vector.broadcast %add3A_407 : i32 to vector<16xi32>
      %add3A_409 = arith.addi %add3A_406, %add3A_408 : vector<16xi32>
      %gather3A_410 = tpu.vector_load_idx %arg4[%add3A_409] : memref<4096xf32, #tpu.memory_space<vmem>>[vector<16xi32>], vector<16xf32>,
      %add3A_411 = arith.addf %add3A_398, %gather3A_410 : vector<16xf32>
      %add3A_412 = arith.constant 3616 : i32
      %add3A_413 = vector.broadcast %add3A_412 : i32 to vector<16xi32>
      %add3A_414 = arith.addi %iota3A, %add3A_413 : vector<16xi32>
      %gather3A_415 = tpu.vector_load_idx %arg4[%add3A_414] : memref<4096xf32, #tpu.memory_space<vmem>>[vector<16xi32>], vector<16xf32>,
      %add3A_416 = arith.addf %add3A_403, %gather3A_415 : vector<16xf32>
      %add3A_417 = arith.constant 3616 : i32
      %add3A_418 = vector.broadcast %add3A_417 : i32 to vector<16xi32>
      %add3A_419 = arith.addi %iota3A, %add3A_418 : vector<16xi32>
      %add3A_420 = arith.constant 16 : i32
      %add3A_421 = vector.broadcast %add3A_420 : i32 to vector<16xi32>
      %add3A_422 = arith.addi %add3A_419, %add3A_421 : vector<16xi32>
      %gather3A_423 = tpu.vector_load_idx %arg4[%add3A_422] : memref<4096xf32, #tpu.memory_space<vmem>>[vector<16xi32>], vector<16xf32>,
      %add3A_424 = arith.addf %add3A_411, %gather3A_423 : vector<16xf32>
      %add3A_425 = arith.constant 3872 : i32
      %add3A_426 = vector.broadcast %add3A_425 : i32 to vector<16xi32>
      %add3A_427 = arith.addi %iota3A, %add3A_426 : vector<16xi32>
      %gather3A_428 = tpu.vector_load_idx %arg4[%add3A_427] : memref<4096xf32, #tpu.memory_space<vmem>>[vector<16xi32>], vector<16xf32>,
      %add3A_429 = arith.addf %add3A_416, %gather3A_428 : vector<16xf32>
      %add3A_430 = arith.constant 3872 : i32
      %add3A_431 = vector.broadcast %add3A_430 : i32 to vector<16xi32>
      %add3A_432 = arith.addi %iota3A, %add3A_431 : vector<16xi32>
      %add3A_433 = arith.constant 16 : i32
      %add3A_434 = vector.broadcast %add3A_433 : i32 to vector<16xi32>
      %add3A_435 = arith.addi %add3A_432, %add3A_434 : vector<16xi32>
      %gather3A_436 = tpu.vector_load_idx %arg4[%add3A_435] : memref<4096xf32, #tpu.memory_space<vmem>>[vector<16xi32>], vector<16xf32>,
      %add3A_437 = arith.addf %add3A_424, %gather3A_436 : vector<16xf32>
      %mul3A = arith.constant 5.000000e-03 : f32
      %mul3A_438 = vector.broadcast %mul3A : f32 to vector<16xf32>
      %mul3A_439 = arith.mulf %add3A_429, %mul3A_438 : vector<16xf32>
      %mul3A_440 = arith.constant 5.000000e-03 : f32
      %mul3A_441 = vector.broadcast %mul3A_440 : f32 to vector<16xf32>
      %mul3A_442 = arith.mulf %add3A_437, %mul3A_441 : vector<16xf32>
      %add3A_443 = arith.constant 20 : i32
      %add3A_444 = vector.broadcast %add3A_443 : i32 to vector<16xi32>
      %add3A_445 = arith.addi %iota3A, %add3A_444 : vector<16xi32>
      %min3A_446 = arith.constant 108 : i32
      %min3A_447 = vector.broadcast %min3A_446 : i32 to vector<16xi32>
      %min3A_448 = arith.minsi %add3A_445, %min3A_447 : vector<16xi32>
      %lt3A_449 = arith.constant 16 : i32
      %lt3A_450 = vector.broadcast %lt3A_449 : i32 to vector<16xi32>
      %lt3A_451 = arith.cmpi slt, %iota3A, %lt3A_450 : vector<16xi32>
      tpu.vector_store_idx %arg5[%min3A_448], %mul3A_439 masked %lt3A_451 : memref<109xf32, #tpu.memory_space<vmem>>[vector<16xi32>], vector<16xf32>, vector<16xi1>
      %add3A_452 = arith.constant 20 : i32
      %add3A_453 = vector.broadcast %add3A_452 : i32 to vector<16xi32>
      %add3A_454 = arith.addi %iota3A, %add3A_453 : vector<16xi32>
      %add3A_455 = arith.constant 16 : i32
      %add3A_456 = vector.broadcast %add3A_455 : i32 to vector<16xi32>
      %add3A_457 = arith.addi %add3A_454, %add3A_456 : vector<16xi32>
      %min3A_458 = arith.constant 108 : i32
      %min3A_459 = vector.broadcast %min3A_458 : i32 to vector<16xi32>
      %min3A_460 = arith.minsi %add3A_457, %min3A_459 : vector<16xi32>
      %lt3A_461 = arith.constant 4 : i32
      %lt3A_462 = vector.broadcast %lt3A_461 : i32 to vector<16xi32>
      %lt3A_463 = arith.cmpi slt, %iota3A, %lt3A_462 : vector<16xi32>
      tpu.vector_store_idx %arg5[%min3A_460], %mul3A_442 masked %lt3A_463 : memref<109xf32, #tpu.memory_space<vmem>>[vector<16xi32>], vector<16xf32>, vector<16xi1>
      %add3A_464 = arith.constant 64 : i32
      %add3A_465 = vector.broadcast %add3A_464 : i32 to vector<16xi32>
      %add3A_466 = arith.addi %iota3A, %add3A_465 : vector<16xi32>
      %gather3A_467 = tpu.vector_load_idx %arg4[%add3A_466] : memref<4096xf32, #tpu.memory_space<vmem>>[vector<16xi32>], vector<16xf32>,
      %add3A_468 = arith.addf %broadcast_in_dim3A_4, %gather3A_467 : vector<16xf32>
      %add3A_469 = arith.constant 320 : i32
      %add3A_470 = vector.broadcast %add3A_469 : i32 to vector<16xi32>
      %add3A_471 = arith.addi %iota3A, %add3A_470 : vector<16xi32>
      %gather3A_472 = tpu.vector_load_idx %arg4[%add3A_471] : memref<4096xf32, #tpu.memory_space<vmem>>[vector<16xi32>], vector<16xf32>,
      %add3A_473 = arith.addf %add3A_468, %gather3A_472 : vector<16xf32>
      %add3A_474 = arith.constant 576 : i32
      %add3A_475 = vector.broadcast %add3A_474 : i32 to vector<16xi32>
      %add3A_476 = arith.addi %iota3A, %add3A_475 : vector<16xi32>
      %gather3A_477 = tpu.vector_load_idx %arg4[%add3A_476] : memref<4096xf32, #tpu.memory_space<vmem>>[vector<16xi32>], vector<16xf32>,
      %add3A_478 = arith.addf %add3A_473, %gather3A_477 : vector<16xf32>
      %add3A_479 = arith.constant 832 : i32
      %add3A_480 = vector.broadcast %add3A_479 : i32 to vector<16xi32>
      %add3A_481 = arith.addi %iota3A, %add3A_480 : vector<16xi32>
      %gather3A_482 = tpu.vector_load_idx %arg4[%add3A_481] : memref<4096xf32, #tpu.memory_space<vmem>>[vector<16xi32>], vector<16xf32>,
      %add3A_483 = arith.addf %add3A_478, %gather3A_482 : vector<16xf32>
      %add3A_484 = arith.constant 1088 : i32
      %add3A_485 = vector.broadcast %add3A_484 : i32 to vector<16xi32>
      %add3A_486 = arith.addi %iota3A, %add3A_485 : vector<16xi32>
      %gather3A_487 = tpu.vector_load_idx %arg4[%add3A_486] : memref<4096xf32, #tpu.memory_space<vmem>>[vector<16xi32>], vector<16xf32>,
      %add3A_488 = arith.addf %add3A_483, %gather3A_487 : vector<16xf32>
      %add3A_489 = arith.constant 1344 : i32
      %add3A_490 = vector.broadcast %add3A_489 : i32 to vector<16xi32>
      %add3A_491 = arith.addi %iota3A, %add3A_490 : vector<16xi32>
      %gather3A_492 = tpu.vector_load_idx %arg4[%add3A_491] : memref<4096xf32, #tpu.memory_space<vmem>>[vector<16xi32>], vector<16xf32>,
      %add3A_493 = arith.addf %add3A_488, %gather3A_492 : vector<16xf32>
      %add3A_494 = arith.constant 1600 : i32
      %add3A_495 = vector.broadcast %add3A_494 : i32 to vector<16xi32>
      %add3A_496 = arith.addi %iota3A, %add3A_495 : vector<16xi32>
      %gather3A_497 = tpu.vector_load_idx %arg4[%add3A_496] : memref<4096xf32, #tpu.memory_space<vmem>>[vector<16xi32>], vector<16xf32>,
      %add3A_498 = arith.addf %add3A_493, %gather3A_497 : vector<16xf32>
      %add3A_499 = arith.constant 1856 : i32
      %add3A_500 = vector.broadcast %add3A_499 : i32 to vector<16xi32>
      %add3A_501 = arith.addi %iota3A, %add3A_500 : vector<16xi32>
      %gather3A_502 = tpu.vector_load_idx %arg4[%add3A_501] : memref<4096xf32, #tpu.memory_space<vmem>>[vector<16xi32>], vector<16xf32>,
      %add3A_503 = arith.addf %add3A_498, %gather3A_502 : vector<16xf32>
      %add3A_504 = arith.constant 2112 : i32
      %add3A_505 = vector.broadcast %add3A_504 : i32 to vector<16xi32>
      %add3A_506 = arith.addi %iota3A, %add3A_505 : vector<16xi32>
      %gather3A_507 = tpu.vector_load_idx %arg4[%add3A_506] : memref<4096xf32, #tpu.memory_space<vmem>>[vector<16xi32>], vector<16xf32>,
      %add3A_508 = arith.addf %add3A_503, %gather3A_507 : vector<16xf32>
      %add3A_509 = arith.constant 2368 : i32
      %add3A_510 = vector.broadcast %add3A_509 : i32 to vector<16xi32>
      %add3A_511 = arith.addi %iota3A, %add3A_510 : vector<16xi32>
      %gather3A_512 = tpu.vector_load_idx %arg4[%add3A_511] : memref<4096xf32, #tpu.memory_space<vmem>>[vector<16xi32>], vector<16xf32>,
      %add3A_513 = arith.addf %add3A_508, %gather3A_512 : vector<16xf32>
      %add3A_514 = arith.constant 2624 : i32
      %add3A_515 = vector.broadcast %add3A_514 : i32 to vector<16xi32>
      %add3A_516 = arith.addi %iota3A, %add3A_515 : vector<16xi32>
      %gather3A_517 = tpu.vector_load_idx %arg4[%add3A_516] : memref<4096xf32, #tpu.memory_space<vmem>>[vector<16xi32>], vector<16xf32>,
      %add3A_518 = arith.addf %add3A_513, %gather3A_517 : vector<16xf32>
      %add3A_519 = arith.constant 2880 : i32
      %add3A_520 = vector.broadcast %add3A_519 : i32 to vector<16xi32>
      %add3A_521 = arith.addi %iota3A, %add3A_520 : vector<16xi32>
      %gather3A_522 = tpu.vector_load_idx %arg4[%add3A_521] : memref<4096xf32, #tpu.memory_space<vmem>>[vector<16xi32>], vector<16xf32>,
      %add3A_523 = arith.addf %add3A_518, %gather3A_522 : vector<16xf32>
      %add3A_524 = arith.constant 3136 : i32
      %add3A_525 = vector.broadcast %add3A_524 : i32 to vector<16xi32>
      %add3A_526 = arith.addi %iota3A, %add3A_525 : vector<16xi32>
      %gather3A_527 = tpu.vector_load_idx %arg4[%add3A_526] : memref<4096xf32, #tpu.memory_space<vmem>>[vector<16xi32>], vector<16xf32>,
      %add3A_528 = arith.addf %add3A_523, %gather3A_527 : vector<16xf32>
      %add3A_529 = arith.constant 3392 : i32
      %add3A_530 = vector.broadcast %add3A_529 : i32 to vector<16xi32>
      %add3A_531 = arith.addi %iota3A, %add3A_530 : vector<16xi32>
      %gather3A_532 = tpu.vector_load_idx %arg4[%add3A_531] : memref<4096xf32, #tpu.memory_space<vmem>>[vector<16xi32>], vector<16xf32>,
      %add3A_533 = arith.addf %add3A_528, %gather3A_532 : vector<16xf32>
      %add3A_534 = arith.constant 3648 : i32
      %add3A_535 = vector.broadcast %add3A_534 : i32 to vector<16xi32>
      %add3A_536 = arith.addi %iota3A, %add3A_535 : vector<16xi32>
      %gather3A_537 = tpu.vector_load_idx %arg4[%add3A_536] : memref<4096xf32, #tpu.memory_space<vmem>>[vector<16xi32>], vector<16xf32>,
      %add3A_538 = arith.addf %add3A_533, %gather3A_537 : vector<16xf32>
      %add3A_539 = arith.constant 3904 : i32
      %add3A_540 = vector.broadcast %add3A_539 : i32 to vector<16xi32>
      %add3A_541 = arith.addi %iota3A, %add3A_540 : vector<16xi32>
      %gather3A_542 = tpu.vector_load_idx %arg4[%add3A_541] : memref<4096xf32, #tpu.memory_space<vmem>>[vector<16xi32>], vector<16xf32>,
      %add3A_543 = arith.addf %add3A_538, %gather3A_542 : vector<16xf32>
      %add3A_544 = arith.constant 40 : i32
      %add3A_545 = vector.broadcast %add3A_544 : i32 to vector<16xi32>
      %add3A_546 = arith.addi %iota3A, %add3A_545 : vector<16xi32>
      %min3A_547 = arith.constant 108 : i32
      %min3A_548 = vector.broadcast %min3A_547 : i32 to vector<16xi32>
      %min3A_549 = arith.minsi %add3A_546, %min3A_548 : vector<16xi32>
      %lt3A_550 = arith.constant 8 : i32
      %lt3A_551 = vector.broadcast %lt3A_550 : i32 to vector<16xi32>
      %lt3A_552 = arith.cmpi slt, %iota3A, %lt3A_551 : vector<16xi32>
      tpu.vector_store_idx %arg5[%min3A_549], %add3A_543 masked %lt3A_552 : memref<109xf32, #tpu.memory_space<vmem>>[vector<16xi32>], vector<16xf32>, vector<16xi1>
      %add3A_553 = arith.constant 96 : i32
      %add3A_554 = vector.broadcast %add3A_553 : i32 to vector<16xi32>
      %add3A_555 = arith.addi %iota3A, %add3A_554 : vector<16xi32>
      %gather3A_556 = tpu.vector_load_idx %arg4[%add3A_555] : memref<4096xf32, #tpu.memory_space<vmem>>[vector<16xi32>], vector<16xf32>,
      %add3A_557 = arith.addf %broadcast_in_dim3A_4, %gather3A_556 : vector<16xf32>
      %add3A_558 = arith.constant 352 : i32
      %add3A_559 = vector.broadcast %add3A_558 : i32 to vector<16xi32>
      %add3A_560 = arith.addi %iota3A, %add3A_559 : vector<16xi32>
      %gather3A_561 = tpu.vector_load_idx %arg4[%add3A_560] : memref<4096xf32, #tpu.memory_space<vmem>>[vector<16xi32>], vector<16xf32>,
      %add3A_562 = arith.addf %add3A_557, %gather3A_561 : vector<16xf32>
      %add3A_563 = arith.constant 608 : i32
      %add3A_564 = vector.broadcast %add3A_563 : i32 to vector<16xi32>
      %add3A_565 = arith.addi %iota3A, %add3A_564 : vector<16xi32>
      %gather3A_566 = tpu.vector_load_idx %arg4[%add3A_565] : memref<4096xf32, #tpu.memory_space<vmem>>[vector<16xi32>], vector<16xf32>,
      %add3A_567 = arith.addf %add3A_562, %gather3A_566 : vector<16xf32>
      %add3A_568 = arith.constant 864 : i32
      %add3A_569 = vector.broadcast %add3A_568 : i32 to vector<16xi32>
      %add3A_570 = arith.addi %iota3A, %add3A_569 : vector<16xi32>
      %gather3A_571 = tpu.vector_load_idx %arg4[%add3A_570] : memref<4096xf32, #tpu.memory_space<vmem>>[vector<16xi32>], vector<16xf32>,
      %add3A_572 = arith.addf %add3A_567, %gather3A_571 : vector<16xf32>
      %add3A_573 = arith.constant 1120 : i32
      %add3A_574 = vector.broadcast %add3A_573 : i32 to vector<16xi32>
      %add3A_575 = arith.addi %iota3A, %add3A_574 : vector<16xi32>
      %gather3A_576 = tpu.vector_load_idx %arg4[%add3A_575] : memref<4096xf32, #tpu.memory_space<vmem>>[vector<16xi32>], vector<16xf32>,
      %add3A_577 = arith.addf %add3A_572, %gather3A_576 : vector<16xf32>
      %add3A_578 = arith.constant 1376 : i32
      %add3A_579 = vector.broadcast %add3A_578 : i32 to vector<16xi32>
      %add3A_580 = arith.addi %iota3A, %add3A_579 : vector<16xi32>
      %gather3A_581 = tpu.vector_load_idx %arg4[%add3A_580] : memref<4096xf32, #tpu.memory_space<vmem>>[vector<16xi32>], vector<16xf32>,
      %add3A_582 = arith.addf %add3A_577, %gather3A_581 : vector<16xf32>
      %add3A_583 = arith.constant 1632 : i32
      %add3A_584 = vector.broadcast %add3A_583 : i32 to vector<16xi32>
      %add3A_585 = arith.addi %iota3A, %add3A_584 : vector<16xi32>
      %gather3A_586 = tpu.vector_load_idx %arg4[%add3A_585] : memref<4096xf32, #tpu.memory_space<vmem>>[vector<16xi32>], vector<16xf32>,
      %add3A_587 = arith.addf %add3A_582, %gather3A_586 : vector<16xf32>
      %add3A_588 = arith.constant 1888 : i32
      %add3A_589 = vector.broadcast %add3A_588 : i32 to vector<16xi32>
      %add3A_590 = arith.addi %iota3A, %add3A_589 : vector<16xi32>
      %gather3A_591 = tpu.vector_load_idx %arg4[%add3A_590] : memref<4096xf32, #tpu.memory_space<vmem>>[vector<16xi32>], vector<16xf32>,
      %add3A_592 = arith.addf %add3A_587, %gather3A_591 : vector<16xf32>
      %add3A_593 = arith.constant 2144 : i32
      %add3A_594 = vector.broadcast %add3A_593 : i32 to vector<16xi32>
      %add3A_595 = arith.addi %iota3A, %add3A_594 : vector<16xi32>
      %gather3A_596 = tpu.vector_load_idx %arg4[%add3A_595] : memref<4096xf32, #tpu.memory_space<vmem>>[vector<16xi32>], vector<16xf32>,
      %add3A_597 = arith.addf %add3A_592, %gather3A_596 : vector<16xf32>
      %add3A_598 = arith.constant 2400 : i32
      %add3A_599 = vector.broadcast %add3A_598 : i32 to vector<16xi32>
      %add3A_600 = arith.addi %iota3A, %add3A_599 : vector<16xi32>
      %gather3A_601 = tpu.vector_load_idx %arg4[%add3A_600] : memref<4096xf32, #tpu.memory_space<vmem>>[vector<16xi32>], vector<16xf32>,
      %add3A_602 = arith.addf %add3A_597, %gather3A_601 : vector<16xf32>
      %add3A_603 = arith.constant 2656 : i32
      %add3A_604 = vector.broadcast %add3A_603 : i32 to vector<16xi32>
      %add3A_605 = arith.addi %iota3A, %add3A_604 : vector<16xi32>
      %gather3A_606 = tpu.vector_load_idx %arg4[%add3A_605] : memref<4096xf32, #tpu.memory_space<vmem>>[vector<16xi32>], vector<16xf32>,
      %add3A_607 = arith.addf %add3A_602, %gather3A_606 : vector<16xf32>
      %add3A_608 = arith.constant 2912 : i32
      %add3A_609 = vector.broadcast %add3A_608 : i32 to vector<16xi32>
      %add3A_610 = arith.addi %iota3A, %add3A_609 : vector<16xi32>
      %gather3A_611 = tpu.vector_load_idx %arg4[%add3A_610] : memref<4096xf32, #tpu.memory_space<vmem>>[vector<16xi32>], vector<16xf32>,
      %add3A_612 = arith.addf %add3A_607, %gather3A_611 : vector<16xf32>
      %add3A_613 = arith.constant 3168 : i32
      %add3A_614 = vector.broadcast %add3A_613 : i32 to vector<16xi32>
      %add3A_615 = arith.addi %iota3A, %add3A_614 : vector<16xi32>
      %gather3A_616 = tpu.vector_load_idx %arg4[%add3A_615] : memref<4096xf32, #tpu.memory_space<vmem>>[vector<16xi32>], vector<16xf32>,
      %add3A_617 = arith.addf %add3A_612, %gather3A_616 : vector<16xf32>
      %add3A_618 = arith.constant 3424 : i32
      %add3A_619 = vector.broadcast %add3A_618 : i32 to vector<16xi32>
      %add3A_620 = arith.addi %iota3A, %add3A_619 : vector<16xi32>
      %gather3A_621 = tpu.vector_load_idx %arg4[%add3A_620] : memref<4096xf32, #tpu.memory_space<vmem>>[vector<16xi32>], vector<16xf32>,
      %add3A_622 = arith.addf %add3A_617, %gather3A_621 : vector<16xf32>
      %add3A_623 = arith.constant 3680 : i32
      %add3A_624 = vector.broadcast %add3A_623 : i32 to vector<16xi32>
      %add3A_625 = arith.addi %iota3A, %add3A_624 : vector<16xi32>
      %gather3A_626 = tpu.vector_load_idx %arg4[%add3A_625] : memref<4096xf32, #tpu.memory_space<vmem>>[vector<16xi32>], vector<16xf32>,
      %add3A_627 = arith.addf %add3A_622, %gather3A_626 : vector<16xf32>
      %add3A_628 = arith.constant 3936 : i32
      %add3A_629 = vector.broadcast %add3A_628 : i32 to vector<16xi32>
      %add3A_630 = arith.addi %iota3A, %add3A_629 : vector<16xi32>
      %gather3A_631 = tpu.vector_load_idx %arg4[%add3A_630] : memref<4096xf32, #tpu.memory_space<vmem>>[vector<16xi32>], vector<16xf32>,
      %add3A_632 = arith.addf %add3A_627, %gather3A_631 : vector<16xf32>
      %mul3A_633 = arith.constant 2.000000e-02 : f32
      %mul3A_634 = vector.broadcast %mul3A_633 : f32 to vector<16xf32>
      %mul3A_635 = arith.mulf %add3A_632, %mul3A_634 : vector<16xf32>
      %mul3A_636 = arith.constant 2.000000e-02 : f32
      %mul3A_637 = vector.broadcast %mul3A_636 : f32 to vector<16xf32>
      %mul3A_638 = arith.mulf %broadcast_in_dim3A_4, %mul3A_637 : vector<16xf32>
      %add3A_639 = arith.constant 48 : i32
      %add3A_640 = vector.broadcast %add3A_639 : i32 to vector<16xi32>
      %add3A_641 = arith.addi %iota3A, %add3A_640 : vector<16xi32>
      %min3A_642 = arith.constant 108 : i32
      %min3A_643 = vector.broadcast %min3A_642 : i32 to vector<16xi32>
      %min3A_644 = arith.minsi %add3A_641, %min3A_643 : vector<16xi32>
      %lt3A_645 = arith.constant 10 : i32
      %lt3A_646 = vector.broadcast %lt3A_645 : i32 to vector<16xi32>
      %lt3A_647 = arith.cmpi slt, %iota3A, %lt3A_646 : vector<16xi32>
      tpu.vector_store_idx %arg5[%min3A_644], %mul3A_635 masked %lt3A_647 : memref<109xf32, #tpu.memory_space<vmem>>[vector<16xi32>], vector<16xf32>, vector<16xi1>
      %add3A_648 = arith.constant 128 : i32
      %add3A_649 = vector.broadcast %add3A_648 : i32 to vector<16xi32>
      %add3A_650 = arith.addi %iota3A, %add3A_649 : vector<16xi32>
      %gather3A_651 = tpu.vector_load_idx %arg4[%add3A_650] : memref<4096xf32, #tpu.memory_space<vmem>>[vector<16xi32>], vector<16xf32>,
      %add3A_652 = arith.addf %broadcast_in_dim3A_4, %gather3A_651 : vector<16xf32>
      %add3A_653 = arith.constant 384 : i32
      %add3A_654 = vector.broadcast %add3A_653 : i32 to vector<16xi32>
      %add3A_655 = arith.addi %iota3A, %add3A_654 : vector<16xi32>
      %gather3A_656 = tpu.vector_load_idx %arg4[%add3A_655] : memref<4096xf32, #tpu.memory_space<vmem>>[vector<16xi32>], vector<16xf32>,
      %add3A_657 = arith.addf %add3A_652, %gather3A_656 : vector<16xf32>
      %add3A_658 = arith.constant 640 : i32
      %add3A_659 = vector.broadcast %add3A_658 : i32 to vector<16xi32>
      %add3A_660 = arith.addi %iota3A, %add3A_659 : vector<16xi32>
      %gather3A_661 = tpu.vector_load_idx %arg4[%add3A_660] : memref<4096xf32, #tpu.memory_space<vmem>>[vector<16xi32>], vector<16xf32>,
      %add3A_662 = arith.addf %add3A_657, %gather3A_661 : vector<16xf32>
      %add3A_663 = arith.constant 896 : i32
      %add3A_664 = vector.broadcast %add3A_663 : i32 to vector<16xi32>
      %add3A_665 = arith.addi %iota3A, %add3A_664 : vector<16xi32>
      %gather3A_666 = tpu.vector_load_idx %arg4[%add3A_665] : memref<4096xf32, #tpu.memory_space<vmem>>[vector<16xi32>], vector<16xf32>,
      %add3A_667 = arith.addf %add3A_662, %gather3A_666 : vector<16xf32>
      %add3A_668 = arith.constant 1152 : i32
      %add3A_669 = vector.broadcast %add3A_668 : i32 to vector<16xi32>
      %add3A_670 = arith.addi %iota3A, %add3A_669 : vector<16xi32>
      %gather3A_671 = tpu.vector_load_idx %arg4[%add3A_670] : memref<4096xf32, #tpu.memory_space<vmem>>[vector<16xi32>], vector<16xf32>,
      %add3A_672 = arith.addf %add3A_667, %gather3A_671 : vector<16xf32>
      %add3A_673 = arith.constant 1408 : i32
      %add3A_674 = vector.broadcast %add3A_673 : i32 to vector<16xi32>
      %add3A_675 = arith.addi %iota3A, %add3A_674 : vector<16xi32>
      %gather3A_676 = tpu.vector_load_idx %arg4[%add3A_675] : memref<4096xf32, #tpu.memory_space<vmem>>[vector<16xi32>], vector<16xf32>,
      %add3A_677 = arith.addf %add3A_672, %gather3A_676 : vector<16xf32>
      %add3A_678 = arith.constant 1664 : i32
      %add3A_679 = vector.broadcast %add3A_678 : i32 to vector<16xi32>
      %add3A_680 = arith.addi %iota3A, %add3A_679 : vector<16xi32>
      %gather3A_681 = tpu.vector_load_idx %arg4[%add3A_680] : memref<4096xf32, #tpu.memory_space<vmem>>[vector<16xi32>], vector<16xf32>,
      %add3A_682 = arith.addf %add3A_677, %gather3A_681 : vector<16xf32>
      %add3A_683 = arith.constant 1920 : i32
      %add3A_684 = vector.broadcast %add3A_683 : i32 to vector<16xi32>
      %add3A_685 = arith.addi %iota3A, %add3A_684 : vector<16xi32>
      %gather3A_686 = tpu.vector_load_idx %arg4[%add3A_685] : memref<4096xf32, #tpu.memory_space<vmem>>[vector<16xi32>], vector<16xf32>,
      %add3A_687 = arith.addf %add3A_682, %gather3A_686 : vector<16xf32>
      %add3A_688 = arith.constant 2176 : i32
      %add3A_689 = vector.broadcast %add3A_688 : i32 to vector<16xi32>
      %add3A_690 = arith.addi %iota3A, %add3A_689 : vector<16xi32>
      %gather3A_691 = tpu.vector_load_idx %arg4[%add3A_690] : memref<4096xf32, #tpu.memory_space<vmem>>[vector<16xi32>], vector<16xf32>,
      %add3A_692 = arith.addf %add3A_687, %gather3A_691 : vector<16xf32>
      %add3A_693 = arith.constant 2432 : i32
      %add3A_694 = vector.broadcast %add3A_693 : i32 to vector<16xi32>
      %add3A_695 = arith.addi %iota3A, %add3A_694 : vector<16xi32>
      %gather3A_696 = tpu.vector_load_idx %arg4[%add3A_695] : memref<4096xf32, #tpu.memory_space<vmem>>[vector<16xi32>], vector<16xf32>,
      %add3A_697 = arith.addf %add3A_692, %gather3A_696 : vector<16xf32>
      %add3A_698 = arith.constant 2688 : i32
      %add3A_699 = vector.broadcast %add3A_698 : i32 to vector<16xi32>
      %add3A_700 = arith.addi %iota3A, %add3A_699 : vector<16xi32>
      %gather3A_701 = tpu.vector_load_idx %arg4[%add3A_700] : memref<4096xf32, #tpu.memory_space<vmem>>[vector<16xi32>], vector<16xf32>,
      %add3A_702 = arith.addf %add3A_697, %gather3A_701 : vector<16xf32>
      %add3A_703 = arith.constant 2944 : i32
      %add3A_704 = vector.broadcast %add3A_703 : i32 to vector<16xi32>
      %add3A_705 = arith.addi %iota3A, %add3A_704 : vector<16xi32>
      %gather3A_706 = tpu.vector_load_idx %arg4[%add3A_705] : memref<4096xf32, #tpu.memory_space<vmem>>[vector<16xi32>], vector<16xf32>,
      %add3A_707 = arith.addf %add3A_702, %gather3A_706 : vector<16xf32>
      %add3A_708 = arith.constant 3200 : i32
      %add3A_709 = vector.broadcast %add3A_708 : i32 to vector<16xi32>
      %add3A_710 = arith.addi %iota3A, %add3A_709 : vector<16xi32>
      %gather3A_711 = tpu.vector_load_idx %arg4[%add3A_710] : memref<4096xf32, #tpu.memory_space<vmem>>[vector<16xi32>], vector<16xf32>,
      %add3A_712 = arith.addf %add3A_707, %gather3A_711 : vector<16xf32>
      %add3A_713 = arith.constant 3456 : i32
      %add3A_714 = vector.broadcast %add3A_713 : i32 to vector<16xi32>
      %add3A_715 = arith.addi %iota3A, %add3A_714 : vector<16xi32>
      %gather3A_716 = tpu.vector_load_idx %arg4[%add3A_715] : memref<4096xf32, #tpu.memory_space<vmem>>[vector<16xi32>], vector<16xf32>,
      %add3A_717 = arith.addf %add3A_712, %gather3A_716 : vector<16xf32>
      %add3A_718 = arith.constant 3712 : i32
      %add3A_719 = vector.broadcast %add3A_718 : i32 to vector<16xi32>
      %add3A_720 = arith.addi %iota3A, %add3A_719 : vector<16xi32>
      %gather3A_721 = tpu.vector_load_idx %arg4[%add3A_720] : memref<4096xf32, #tpu.memory_space<vmem>>[vector<16xi32>], vector<16xf32>,
      %add3A_722 = arith.addf %add3A_717, %gather3A_721 : vector<16xf32>
      %add3A_723 = arith.constant 3968 : i32
      %add3A_724 = vector.broadcast %add3A_723 : i32 to vector<16xi32>
      %add3A_725 = arith.addi %iota3A, %add3A_724 : vector<16xi32>
      %gather3A_726 = tpu.vector_load_idx %arg4[%add3A_725] : memref<4096xf32, #tpu.memory_space<vmem>>[vector<16xi32>], vector<16xf32>,
      %add3A_727 = arith.addf %add3A_722, %gather3A_726 : vector<16xf32>
      %mul3A_728 = arith.constant 2.000000e-01 : f32
      %mul3A_729 = vector.broadcast %mul3A_728 : f32 to vector<16xf32>
      %mul3A_730 = arith.mulf %add3A_727, %mul3A_729 : vector<16xf32>
      %mul3A_731 = arith.constant 2.000000e-01 : f32
      %mul3A_732 = vector.broadcast %mul3A_731 : f32 to vector<16xf32>
      %mul3A_733 = arith.mulf %broadcast_in_dim3A_4, %mul3A_732 : vector<16xf32>
      %add3A_734 = arith.constant 58 : i32
      %add3A_735 = vector.broadcast %add3A_734 : i32 to vector<16xi32>
      %add3A_736 = arith.addi %iota3A, %add3A_735 : vector<16xi32>
      %min3A_737 = arith.constant 108 : i32
      %min3A_738 = vector.broadcast %min3A_737 : i32 to vector<16xi32>
      %min3A_739 = arith.minsi %add3A_736, %min3A_738 : vector<16xi32>
      %lt3A_740 = arith.constant 15 : i32
      %lt3A_741 = vector.broadcast %lt3A_740 : i32 to vector<16xi32>
      %lt3A_742 = arith.cmpi slt, %iota3A, %lt3A_741 : vector<16xi32>
      tpu.vector_store_idx %arg5[%min3A_739], %mul3A_730 masked %lt3A_742 : memref<109xf32, #tpu.memory_space<vmem>>[vector<16xi32>], vector<16xf32>, vector<16xi1>
      %add3A_743 = arith.constant 160 : i32
      %add3A_744 = vector.broadcast %add3A_743 : i32 to vector<16xi32>
      %add3A_745 = arith.addi %iota3A, %add3A_744 : vector<16xi32>
      %gather3A_746 = tpu.vector_load_idx %arg4[%add3A_745] : memref<4096xf32, #tpu.memory_space<vmem>>[vector<16xi32>], vector<16xf32>,
      %add3A_747 = arith.addf %broadcast_in_dim3A_4, %gather3A_746 : vector<16xf32>
      %add3A_748 = arith.constant 416 : i32
      %add3A_749 = vector.broadcast %add3A_748 : i32 to vector<16xi32>
      %add3A_750 = arith.addi %iota3A, %add3A_749 : vector<16xi32>
      %gather3A_751 = tpu.vector_load_idx %arg4[%add3A_750] : memref<4096xf32, #tpu.memory_space<vmem>>[vector<16xi32>], vector<16xf32>,
      %add3A_752 = arith.addf %add3A_747, %gather3A_751 : vector<16xf32>
      %add3A_753 = arith.constant 672 : i32
      %add3A_754 = vector.broadcast %add3A_753 : i32 to vector<16xi32>
      %add3A_755 = arith.addi %iota3A, %add3A_754 : vector<16xi32>
      %gather3A_756 = tpu.vector_load_idx %arg4[%add3A_755] : memref<4096xf32, #tpu.memory_space<vmem>>[vector<16xi32>], vector<16xf32>,
      %add3A_757 = arith.addf %add3A_752, %gather3A_756 : vector<16xf32>
      %add3A_758 = arith.constant 928 : i32
      %add3A_759 = vector.broadcast %add3A_758 : i32 to vector<16xi32>
      %add3A_760 = arith.addi %iota3A, %add3A_759 : vector<16xi32>
      %gather3A_761 = tpu.vector_load_idx %arg4[%add3A_760] : memref<4096xf32, #tpu.memory_space<vmem>>[vector<16xi32>], vector<16xf32>,
      %add3A_762 = arith.addf %add3A_757, %gather3A_761 : vector<16xf32>
      %add3A_763 = arith.constant 1184 : i32
      %add3A_764 = vector.broadcast %add3A_763 : i32 to vector<16xi32>
      %add3A_765 = arith.addi %iota3A, %add3A_764 : vector<16xi32>
      %gather3A_766 = tpu.vector_load_idx %arg4[%add3A_765] : memref<4096xf32, #tpu.memory_space<vmem>>[vector<16xi32>], vector<16xf32>,
      %add3A_767 = arith.addf %add3A_762, %gather3A_766 : vector<16xf32>
      %add3A_768 = arith.constant 1440 : i32
      %add3A_769 = vector.broadcast %add3A_768 : i32 to vector<16xi32>
      %add3A_770 = arith.addi %iota3A, %add3A_769 : vector<16xi32>
      %gather3A_771 = tpu.vector_load_idx %arg4[%add3A_770] : memref<4096xf32, #tpu.memory_space<vmem>>[vector<16xi32>], vector<16xf32>,
      %add3A_772 = arith.addf %add3A_767, %gather3A_771 : vector<16xf32>
      %add3A_773 = arith.constant 1696 : i32
      %add3A_774 = vector.broadcast %add3A_773 : i32 to vector<16xi32>
      %add3A_775 = arith.addi %iota3A, %add3A_774 : vector<16xi32>
      %gather3A_776 = tpu.vector_load_idx %arg4[%add3A_775] : memref<4096xf32, #tpu.memory_space<vmem>>[vector<16xi32>], vector<16xf32>,
      %add3A_777 = arith.addf %add3A_772, %gather3A_776 : vector<16xf32>
      %add3A_778 = arith.constant 1952 : i32
      %add3A_779 = vector.broadcast %add3A_778 : i32 to vector<16xi32>
      %add3A_780 = arith.addi %iota3A, %add3A_779 : vector<16xi32>
      %gather3A_781 = tpu.vector_load_idx %arg4[%add3A_780] : memref<4096xf32, #tpu.memory_space<vmem>>[vector<16xi32>], vector<16xf32>,
      %add3A_782 = arith.addf %add3A_777, %gather3A_781 : vector<16xf32>
      %add3A_783 = arith.constant 2208 : i32
      %add3A_784 = vector.broadcast %add3A_783 : i32 to vector<16xi32>
      %add3A_785 = arith.addi %iota3A, %add3A_784 : vector<16xi32>
      %gather3A_786 = tpu.vector_load_idx %arg4[%add3A_785] : memref<4096xf32, #tpu.memory_space<vmem>>[vector<16xi32>], vector<16xf32>,
      %add3A_787 = arith.addf %add3A_782, %gather3A_786 : vector<16xf32>
      %add3A_788 = arith.constant 2464 : i32
      %add3A_789 = vector.broadcast %add3A_788 : i32 to vector<16xi32>
      %add3A_790 = arith.addi %iota3A, %add3A_789 : vector<16xi32>
      %gather3A_791 = tpu.vector_load_idx %arg4[%add3A_790] : memref<4096xf32, #tpu.memory_space<vmem>>[vector<16xi32>], vector<16xf32>,
      %add3A_792 = arith.addf %add3A_787, %gather3A_791 : vector<16xf32>
      %add3A_793 = arith.constant 2720 : i32
      %add3A_794 = vector.broadcast %add3A_793 : i32 to vector<16xi32>
      %add3A_795 = arith.addi %iota3A, %add3A_794 : vector<16xi32>
      %gather3A_796 = tpu.vector_load_idx %arg4[%add3A_795] : memref<4096xf32, #tpu.memory_space<vmem>>[vector<16xi32>], vector<16xf32>,
      %add3A_797 = arith.addf %add3A_792, %gather3A_796 : vector<16xf32>
      %add3A_798 = arith.constant 2976 : i32
      %add3A_799 = vector.broadcast %add3A_798 : i32 to vector<16xi32>
      %add3A_800 = arith.addi %iota3A, %add3A_799 : vector<16xi32>
      %gather3A_801 = tpu.vector_load_idx %arg4[%add3A_800] : memref<4096xf32, #tpu.memory_space<vmem>>[vector<16xi32>], vector<16xf32>,
      %add3A_802 = arith.addf %add3A_797, %gather3A_801 : vector<16xf32>
      %add3A_803 = arith.constant 3232 : i32
      %add3A_804 = vector.broadcast %add3A_803 : i32 to vector<16xi32>
      %add3A_805 = arith.addi %iota3A, %add3A_804 : vector<16xi32>
      %gather3A_806 = tpu.vector_load_idx %arg4[%add3A_805] : memref<4096xf32, #tpu.memory_space<vmem>>[vector<16xi32>], vector<16xf32>,
      %add3A_807 = arith.addf %add3A_802, %gather3A_806 : vector<16xf32>
      %add3A_808 = arith.constant 3488 : i32
      %add3A_809 = vector.broadcast %add3A_808 : i32 to vector<16xi32>
      %add3A_810 = arith.addi %iota3A, %add3A_809 : vector<16xi32>
      %gather3A_811 = tpu.vector_load_idx %arg4[%add3A_810] : memref<4096xf32, #tpu.memory_space<vmem>>[vector<16xi32>], vector<16xf32>,
      %add3A_812 = arith.addf %add3A_807, %gather3A_811 : vector<16xf32>
      %add3A_813 = arith.constant 3744 : i32
      %add3A_814 = vector.broadcast %add3A_813 : i32 to vector<16xi32>
      %add3A_815 = arith.addi %iota3A, %add3A_814 : vector<16xi32>
      %gather3A_816 = tpu.vector_load_idx %arg4[%add3A_815] : memref<4096xf32, #tpu.memory_space<vmem>>[vector<16xi32>], vector<16xf32>,
      %add3A_817 = arith.addf %add3A_812, %gather3A_816 : vector<16xf32>
      %add3A_818 = arith.constant 4000 : i32
      %add3A_819 = vector.broadcast %add3A_818 : i32 to vector<16xi32>
      %add3A_820 = arith.addi %iota3A, %add3A_819 : vector<16xi32>
      %gather3A_821 = tpu.vector_load_idx %arg4[%add3A_820] : memref<4096xf32, #tpu.memory_space<vmem>>[vector<16xi32>], vector<16xf32>,
      %add3A_822 = arith.addf %add3A_817, %gather3A_821 : vector<16xf32>
      %mul3A_823 = arith.constant 2.000000e-01 : f32
      %mul3A_824 = vector.broadcast %mul3A_823 : f32 to vector<16xf32>
      %mul3A_825 = arith.mulf %add3A_822, %mul3A_824 : vector<16xf32>
      %mul3A_826 = arith.constant 2.000000e-01 : f32
      %mul3A_827 = vector.broadcast %mul3A_826 : f32 to vector<16xf32>
      %mul3A_828 = arith.mulf %broadcast_in_dim3A_4, %mul3A_827 : vector<16xf32>
      %add3A_829 = arith.constant 73 : i32
      %add3A_830 = vector.broadcast %add3A_829 : i32 to vector<16xi32>
      %add3A_831 = arith.addi %iota3A, %add3A_830 : vector<16xi32>
      %min3A_832 = arith.constant 108 : i32
      %min3A_833 = vector.broadcast %min3A_832 : i32 to vector<16xi32>
      %min3A_834 = arith.minsi %add3A_831, %min3A_833 : vector<16xi32>
      %lt3A_835 = arith.constant 10 : i32
      %lt3A_836 = vector.broadcast %lt3A_835 : i32 to vector<16xi32>
      %lt3A_837 = arith.cmpi slt, %iota3A, %lt3A_836 : vector<16xi32>
      tpu.vector_store_idx %arg5[%min3A_834], %mul3A_825 masked %lt3A_837 : memref<109xf32, #tpu.memory_space<vmem>>[vector<16xi32>], vector<16xf32>, vector<16xi1>
      %add3A_838 = arith.constant 192 : i32
      %add3A_839 = vector.broadcast %add3A_838 : i32 to vector<16xi32>
      %add3A_840 = arith.addi %iota3A, %add3A_839 : vector<16xi32>
      %gather3A_841 = tpu.vector_load_idx %arg4[%add3A_840] : memref<4096xf32, #tpu.memory_space<vmem>>[vector<16xi32>], vector<16xf32>,
      %add3A_842 = arith.addf %broadcast_in_dim3A_4, %gather3A_841 : vector<16xf32>
      %add3A_843 = arith.constant 448 : i32
      %add3A_844 = vector.broadcast %add3A_843 : i32 to vector<16xi32>
      %add3A_845 = arith.addi %iota3A, %add3A_844 : vector<16xi32>
      %gather3A_846 = tpu.vector_load_idx %arg4[%add3A_845] : memref<4096xf32, #tpu.memory_space<vmem>>[vector<16xi32>], vector<16xf32>,
      %add3A_847 = arith.addf %add3A_842, %gather3A_846 : vector<16xf32>
      %add3A_848 = arith.constant 704 : i32
      %add3A_849 = vector.broadcast %add3A_848 : i32 to vector<16xi32>
      %add3A_850 = arith.addi %iota3A, %add3A_849 : vector<16xi32>
      %gather3A_851 = tpu.vector_load_idx %arg4[%add3A_850] : memref<4096xf32, #tpu.memory_space<vmem>>[vector<16xi32>], vector<16xf32>,
      %add3A_852 = arith.addf %add3A_847, %gather3A_851 : vector<16xf32>
      %add3A_853 = arith.constant 960 : i32
      %add3A_854 = vector.broadcast %add3A_853 : i32 to vector<16xi32>
      %add3A_855 = arith.addi %iota3A, %add3A_854 : vector<16xi32>
      %gather3A_856 = tpu.vector_load_idx %arg4[%add3A_855] : memref<4096xf32, #tpu.memory_space<vmem>>[vector<16xi32>], vector<16xf32>,
      %add3A_857 = arith.addf %add3A_852, %gather3A_856 : vector<16xf32>
      %add3A_858 = arith.constant 1216 : i32
      %add3A_859 = vector.broadcast %add3A_858 : i32 to vector<16xi32>
      %add3A_860 = arith.addi %iota3A, %add3A_859 : vector<16xi32>
      %gather3A_861 = tpu.vector_load_idx %arg4[%add3A_860] : memref<4096xf32, #tpu.memory_space<vmem>>[vector<16xi32>], vector<16xf32>,
      %add3A_862 = arith.addf %add3A_857, %gather3A_861 : vector<16xf32>
      %add3A_863 = arith.constant 1472 : i32
      %add3A_864 = vector.broadcast %add3A_863 : i32 to vector<16xi32>
      %add3A_865 = arith.addi %iota3A, %add3A_864 : vector<16xi32>
      %gather3A_866 = tpu.vector_load_idx %arg4[%add3A_865] : memref<4096xf32, #tpu.memory_space<vmem>>[vector<16xi32>], vector<16xf32>,
      %add3A_867 = arith.addf %add3A_862, %gather3A_866 : vector<16xf32>
      %add3A_868 = arith.constant 1728 : i32
      %add3A_869 = vector.broadcast %add3A_868 : i32 to vector<16xi32>
      %add3A_870 = arith.addi %iota3A, %add3A_869 : vector<16xi32>
      %gather3A_871 = tpu.vector_load_idx %arg4[%add3A_870] : memref<4096xf32, #tpu.memory_space<vmem>>[vector<16xi32>], vector<16xf32>,
      %add3A_872 = arith.addf %add3A_867, %gather3A_871 : vector<16xf32>
      %add3A_873 = arith.constant 1984 : i32
      %add3A_874 = vector.broadcast %add3A_873 : i32 to vector<16xi32>
      %add3A_875 = arith.addi %iota3A, %add3A_874 : vector<16xi32>
      %gather3A_876 = tpu.vector_load_idx %arg4[%add3A_875] : memref<4096xf32, #tpu.memory_space<vmem>>[vector<16xi32>], vector<16xf32>,
      %add3A_877 = arith.addf %add3A_872, %gather3A_876 : vector<16xf32>
      %add3A_878 = arith.constant 2240 : i32
      %add3A_879 = vector.broadcast %add3A_878 : i32 to vector<16xi32>
      %add3A_880 = arith.addi %iota3A, %add3A_879 : vector<16xi32>
      %gather3A_881 = tpu.vector_load_idx %arg4[%add3A_880] : memref<4096xf32, #tpu.memory_space<vmem>>[vector<16xi32>], vector<16xf32>,
      %add3A_882 = arith.addf %add3A_877, %gather3A_881 : vector<16xf32>
      %add3A_883 = arith.constant 2496 : i32
      %add3A_884 = vector.broadcast %add3A_883 : i32 to vector<16xi32>
      %add3A_885 = arith.addi %iota3A, %add3A_884 : vector<16xi32>
      %gather3A_886 = tpu.vector_load_idx %arg4[%add3A_885] : memref<4096xf32, #tpu.memory_space<vmem>>[vector<16xi32>], vector<16xf32>,
      %add3A_887 = arith.addf %add3A_882, %gather3A_886 : vector<16xf32>
      %add3A_888 = arith.constant 2752 : i32
      %add3A_889 = vector.broadcast %add3A_888 : i32 to vector<16xi32>
      %add3A_890 = arith.addi %iota3A, %add3A_889 : vector<16xi32>
      %gather3A_891 = tpu.vector_load_idx %arg4[%add3A_890] : memref<4096xf32, #tpu.memory_space<vmem>>[vector<16xi32>], vector<16xf32>,
      %add3A_892 = arith.addf %add3A_887, %gather3A_891 : vector<16xf32>
      %add3A_893 = arith.constant 3008 : i32
      %add3A_894 = vector.broadcast %add3A_893 : i32 to vector<16xi32>
      %add3A_895 = arith.addi %iota3A, %add3A_894 : vector<16xi32>
      %gather3A_896 = tpu.vector_load_idx %arg4[%add3A_895] : memref<4096xf32, #tpu.memory_space<vmem>>[vector<16xi32>], vector<16xf32>,
      %add3A_897 = arith.addf %add3A_892, %gather3A_896 : vector<16xf32>
      %add3A_898 = arith.constant 3264 : i32
      %add3A_899 = vector.broadcast %add3A_898 : i32 to vector<16xi32>
      %add3A_900 = arith.addi %iota3A, %add3A_899 : vector<16xi32>
      %gather3A_901 = tpu.vector_load_idx %arg4[%add3A_900] : memref<4096xf32, #tpu.memory_space<vmem>>[vector<16xi32>], vector<16xf32>,
      %add3A_902 = arith.addf %add3A_897, %gather3A_901 : vector<16xf32>
      %add3A_903 = arith.constant 3520 : i32
      %add3A_904 = vector.broadcast %add3A_903 : i32 to vector<16xi32>
      %add3A_905 = arith.addi %iota3A, %add3A_904 : vector<16xi32>
      %gather3A_906 = tpu.vector_load_idx %arg4[%add3A_905] : memref<4096xf32, #tpu.memory_space<vmem>>[vector<16xi32>], vector<16xf32>,
      %add3A_907 = arith.addf %add3A_902, %gather3A_906 : vector<16xf32>
      %add3A_908 = arith.constant 3776 : i32
      %add3A_909 = vector.broadcast %add3A_908 : i32 to vector<16xi32>
      %add3A_910 = arith.addi %iota3A, %add3A_909 : vector<16xi32>
      %gather3A_911 = tpu.vector_load_idx %arg4[%add3A_910] : memref<4096xf32, #tpu.memory_space<vmem>>[vector<16xi32>], vector<16xf32>,
      %add3A_912 = arith.addf %add3A_907, %gather3A_911 : vector<16xf32>
      %add3A_913 = arith.constant 4032 : i32
      %add3A_914 = vector.broadcast %add3A_913 : i32 to vector<16xi32>
      %add3A_915 = arith.addi %iota3A, %add3A_914 : vector<16xi32>
      %gather3A_916 = tpu.vector_load_idx %arg4[%add3A_915] : memref<4096xf32, #tpu.memory_space<vmem>>[vector<16xi32>], vector<16xf32>,
      %add3A_917 = arith.addf %add3A_912, %gather3A_916 : vector<16xf32>
      %mul3A_918 = arith.constant 0.333333343 : f32
      %mul3A_919 = vector.broadcast %mul3A_918 : f32 to vector<16xf32>
      %mul3A_920 = arith.mulf %add3A_917, %mul3A_919 : vector<16xf32>
      %mul3A_921 = arith.constant 0.333333343 : f32
      %mul3A_922 = vector.broadcast %mul3A_921 : f32 to vector<16xf32>
      %mul3A_923 = arith.mulf %broadcast_in_dim3A_4, %mul3A_922 : vector<16xf32>
      %add3A_924 = arith.constant 83 : i32
      %add3A_925 = vector.broadcast %add3A_924 : i32 to vector<16xi32>
      %add3A_926 = arith.addi %iota3A, %add3A_925 : vector<16xi32>
      %min3A_927 = arith.constant 108 : i32
      %min3A_928 = vector.broadcast %min3A_927 : i32 to vector<16xi32>
      %min3A_929 = arith.minsi %add3A_926, %min3A_928 : vector<16xi32>
      %lt3A_930 = arith.constant 10 : i32
      %lt3A_931 = vector.broadcast %lt3A_930 : i32 to vector<16xi32>
      %lt3A_932 = arith.cmpi slt, %iota3A, %lt3A_931 : vector<16xi32>
      tpu.vector_store_idx %arg5[%min3A_929], %mul3A_920 masked %lt3A_932 : memref<109xf32, #tpu.memory_space<vmem>>[vector<16xi32>], vector<16xf32>, vector<16xi1>
      %add3A_933 = arith.constant 224 : i32
      %add3A_934 = vector.broadcast %add3A_933 : i32 to vector<16xi32>
      %add3A_935 = arith.addi %iota3A, %add3A_934 : vector<16xi32>
      %gather3A_936 = tpu.vector_load_idx %arg4[%add3A_935] : memref<4096xf32, #tpu.memory_space<vmem>>[vector<16xi32>], vector<16xf32>,
      %add3A_937 = arith.addf %broadcast_in_dim3A_4, %gather3A_936 : vector<16xf32>
      %add3A_938 = arith.constant 480 : i32
      %add3A_939 = vector.broadcast %add3A_938 : i32 to vector<16xi32>
      %add3A_940 = arith.addi %iota3A, %add3A_939 : vector<16xi32>
      %gather3A_941 = tpu.vector_load_idx %arg4[%add3A_940] : memref<4096xf32, #tpu.memory_space<vmem>>[vector<16xi32>], vector<16xf32>,
      %add3A_942 = arith.addf %add3A_937, %gather3A_941 : vector<16xf32>
      %add3A_943 = arith.constant 736 : i32
      %add3A_944 = vector.broadcast %add3A_943 : i32 to vector<16xi32>
      %add3A_945 = arith.addi %iota3A, %add3A_944 : vector<16xi32>
      %gather3A_946 = tpu.vector_load_idx %arg4[%add3A_945] : memref<4096xf32, #tpu.memory_space<vmem>>[vector<16xi32>], vector<16xf32>,
      %add3A_947 = arith.addf %add3A_942, %gather3A_946 : vector<16xf32>
      %add3A_948 = arith.constant 992 : i32
      %add3A_949 = vector.broadcast %add3A_948 : i32 to vector<16xi32>
      %add3A_950 = arith.addi %iota3A, %add3A_949 : vector<16xi32>
      %gather3A_951 = tpu.vector_load_idx %arg4[%add3A_950] : memref<4096xf32, #tpu.memory_space<vmem>>[vector<16xi32>], vector<16xf32>,
      %add3A_952 = arith.addf %add3A_947, %gather3A_951 : vector<16xf32>
      %add3A_953 = arith.constant 1248 : i32
      %add3A_954 = vector.broadcast %add3A_953 : i32 to vector<16xi32>
      %add3A_955 = arith.addi %iota3A, %add3A_954 : vector<16xi32>
      %gather3A_956 = tpu.vector_load_idx %arg4[%add3A_955] : memref<4096xf32, #tpu.memory_space<vmem>>[vector<16xi32>], vector<16xf32>,
      %add3A_957 = arith.addf %add3A_952, %gather3A_956 : vector<16xf32>
      %add3A_958 = arith.constant 1504 : i32
      %add3A_959 = vector.broadcast %add3A_958 : i32 to vector<16xi32>
      %add3A_960 = arith.addi %iota3A, %add3A_959 : vector<16xi32>
      %gather3A_961 = tpu.vector_load_idx %arg4[%add3A_960] : memref<4096xf32, #tpu.memory_space<vmem>>[vector<16xi32>], vector<16xf32>,
      %add3A_962 = arith.addf %add3A_957, %gather3A_961 : vector<16xf32>
      %add3A_963 = arith.constant 1760 : i32
      %add3A_964 = vector.broadcast %add3A_963 : i32 to vector<16xi32>
      %add3A_965 = arith.addi %iota3A, %add3A_964 : vector<16xi32>
      %gather3A_966 = tpu.vector_load_idx %arg4[%add3A_965] : memref<4096xf32, #tpu.memory_space<vmem>>[vector<16xi32>], vector<16xf32>,
      %add3A_967 = arith.addf %add3A_962, %gather3A_966 : vector<16xf32>
      %add3A_968 = arith.constant 2016 : i32
      %add3A_969 = vector.broadcast %add3A_968 : i32 to vector<16xi32>
      %add3A_970 = arith.addi %iota3A, %add3A_969 : vector<16xi32>
      %gather3A_971 = tpu.vector_load_idx %arg4[%add3A_970] : memref<4096xf32, #tpu.memory_space<vmem>>[vector<16xi32>], vector<16xf32>,
      %add3A_972 = arith.addf %add3A_967, %gather3A_971 : vector<16xf32>
      %add3A_973 = arith.constant 2272 : i32
      %add3A_974 = vector.broadcast %add3A_973 : i32 to vector<16xi32>
      %add3A_975 = arith.addi %iota3A, %add3A_974 : vector<16xi32>
      %gather3A_976 = tpu.vector_load_idx %arg4[%add3A_975] : memref<4096xf32, #tpu.memory_space<vmem>>[vector<16xi32>], vector<16xf32>,
      %add3A_977 = arith.addf %add3A_972, %gather3A_976 : vector<16xf32>
      %add3A_978 = arith.constant 2528 : i32
      %add3A_979 = vector.broadcast %add3A_978 : i32 to vector<16xi32>
      %add3A_980 = arith.addi %iota3A, %add3A_979 : vector<16xi32>
      %gather3A_981 = tpu.vector_load_idx %arg4[%add3A_980] : memref<4096xf32, #tpu.memory_space<vmem>>[vector<16xi32>], vector<16xf32>,
      %add3A_982 = arith.addf %add3A_977, %gather3A_981 : vector<16xf32>
      %add3A_983 = arith.constant 2784 : i32
      %add3A_984 = vector.broadcast %add3A_983 : i32 to vector<16xi32>
      %add3A_985 = arith.addi %iota3A, %add3A_984 : vector<16xi32>
      %gather3A_986 = tpu.vector_load_idx %arg4[%add3A_985] : memref<4096xf32, #tpu.memory_space<vmem>>[vector<16xi32>], vector<16xf32>,
      %add3A_987 = arith.addf %add3A_982, %gather3A_986 : vector<16xf32>
      %add3A_988 = arith.constant 3040 : i32
      %add3A_989 = vector.broadcast %add3A_988 : i32 to vector<16xi32>
      %add3A_990 = arith.addi %iota3A, %add3A_989 : vector<16xi32>
      %gather3A_991 = tpu.vector_load_idx %arg4[%add3A_990] : memref<4096xf32, #tpu.memory_space<vmem>>[vector<16xi32>], vector<16xf32>,
      %add3A_992 = arith.addf %add3A_987, %gather3A_991 : vector<16xf32>
      %add3A_993 = arith.constant 3296 : i32
      %add3A_994 = vector.broadcast %add3A_993 : i32 to vector<16xi32>
      %add3A_995 = arith.addi %iota3A, %add3A_994 : vector<16xi32>
      %gather3A_996 = tpu.vector_load_idx %arg4[%add3A_995] : memref<4096xf32, #tpu.memory_space<vmem>>[vector<16xi32>], vector<16xf32>,
      %add3A_997 = arith.addf %add3A_992, %gather3A_996 : vector<16xf32>
      %add3A_998 = arith.constant 3552 : i32
      %add3A_999 = vector.broadcast %add3A_998 : i32 to vector<16xi32>
      %add3A_1000 = arith.addi %iota3A, %add3A_999 : vector<16xi32>
      %gather3A_1001 = tpu.vector_load_idx %arg4[%add3A_1000] : memref<4096xf32, #tpu.memory_space<vmem>>[vector<16xi32>], vector<16xf32>,
      %add3A_1002 = arith.addf %add3A_997, %gather3A_1001 : vector<16xf32>
      %add3A_1003 = arith.constant 3808 : i32
      %add3A_1004 = vector.broadcast %add3A_1003 : i32 to vector<16xi32>
      %add3A_1005 = arith.addi %iota3A, %add3A_1004 : vector<16xi32>
      %gather3A_1006 = tpu.vector_load_idx %arg4[%add3A_1005] : memref<4096xf32, #tpu.memory_space<vmem>>[vector<16xi32>], vector<16xf32>,
      %add3A_1007 = arith.addf %add3A_1002, %gather3A_1006 : vector<16xf32>
      %add3A_1008 = arith.constant 4064 : i32
      %add3A_1009 = vector.broadcast %add3A_1008 : i32 to vector<16xi32>
      %add3A_1010 = arith.addi %iota3A, %add3A_1009 : vector<16xi32>
      %gather3A_1011 = tpu.vector_load_idx %arg4[%add3A_1010] : memref<4096xf32, #tpu.memory_space<vmem>>[vector<16xi32>], vector<16xf32>,
      %add3A_1012 = arith.addf %add3A_1007, %gather3A_1011 : vector<16xf32>
      %add3A_1013 = arith.constant 93 : i32
      %add3A_1014 = vector.broadcast %add3A_1013 : i32 to vector<16xi32>
      %add3A_1015 = arith.addi %iota3A, %add3A_1014 : vector<16xi32>
      %min3A_1016 = arith.constant 108 : i32
      %min3A_1017 = vector.broadcast %min3A_1016 : i32 to vector<16xi32>
      %min3A_1018 = arith.minsi %add3A_1015, %min3A_1017 : vector<16xi32>
      %lt3A_1019 = arith.constant 16 : i32
      %lt3A_1020 = vector.broadcast %lt3A_1019 : i32 to vector<16xi32>
      %lt3A_1021 = arith.cmpi slt, %iota3A, %lt3A_1020 : vector<16xi32>
      tpu.vector_store_idx %arg5[%min3A_1018], %add3A_1012 masked %lt3A_1021 : memref<109xf32, #tpu.memory_space<vmem>>[vector<16xi32>], vector<16xf32>, vector<16xi1>
      "tpu.region"() ({
        %run_scoped3A = tpu.sem_alloc : memref<!tpu.dma_semaphore, #tpu.memory_space<semaphore_mem>>
        tpu.enqueue_dma source(%arg5 : memref<109xf32, #tpu.memory_space<vmem>>) target(%arg3 : memref<109xf32, #tpu.memory_space<hbm>>) target_semaphore(%run_scoped3A : memref<!tpu.dma_semaphore, #tpu.memory_space<semaphore_mem>>)
        tpu.wait_dma2 semaphore(%run_scoped3A : memref<!tpu.dma_semaphore, #tpu.memory_space<semaphore_mem>>) src(%arg5 : memref<109xf32, #tpu.memory_space<vmem>>) dst(%arg3 : memref<109xf32, #tpu.memory_space<hbm>>)
        tpu.yield
      }) : () -> ()
    } else {
    }
    return
  }
}

#map = affine_map<(d0, d1) -> (0)>
#map1 = affine_map<(d0, d1) -> (0, 0)>
module attributes {stable_mosaic.version = 14 : i64} {
  func.func @_body_a(%arg0: i32, %arg1: i32, %arg2: memref<16xi32, #tpu.memory_space<hbm>>, %arg3: memref<16xi32, #tpu.memory_space<hbm>>, %arg4: memref<16xi32, #tpu.memory_space<hbm>>, %arg5: memref<16xi32, #tpu.memory_space<hbm>>, %arg6: memref<16xi32, #tpu.memory_space<hbm>>, %arg7: memref<16xi32, #tpu.memory_space<hbm>>, %arg8: memref<16xf32, #tpu.memory_space<hbm>>, %arg9: memref<50000x20xf32, #tpu.memory_space<hbm>>, %arg10: memref<30000x20xf32, #tpu.memory_space<hbm>>, %arg11: memref<5000x8xf32, #tpu.memory_space<hbm>>, %arg12: memref<20000x10xf32, #tpu.memory_space<hbm>>, %arg13: memref<32x15xf32, #tpu.memory_space<hbm>>, %arg14: memref<10000x10xf32, #tpu.memory_space<hbm>>, %arg15: memref<200x10xf32, #tpu.memory_space<hbm>>, %arg16: memref<4096xf32, #tpu.memory_space<hbm>>, %arg17: memref<16xi32, #tpu.memory_space<vmem>>, %arg18: memref<8x200xi32, #tpu.memory_space<vmem>>, %arg19: memref<8x50xi32, #tpu.memory_space<vmem>>, %arg20: memref<8x5xi32, #tpu.memory_space<vmem>>, %arg21: memref<8x5xi32, #tpu.memory_space<vmem>>, %arg22: memref<8x3xi32, #tpu.memory_space<vmem>>, %arg23: memref<8xi32, #tpu.memory_space<vmem>>, %arg24: memref<8xi32, #tpu.memory_space<vmem>>, %arg25: memref<8x16xf32, #tpu.memory_space<vmem>>, %arg26: memref<13x8x20xf32, #tpu.memory_space<vmem>>, %arg27: memref<4x8x10xf32, #tpu.memory_space<vmem>>, %arg28: memref<1x8x15xf32, #tpu.memory_space<vmem>>, %arg29: memref<1x8x10xf32, #tpu.memory_space<vmem>>, %arg30: memref<1x8x10xf32, #tpu.memory_space<vmem>>, %arg31: memref<1x8x20xf32, #tpu.memory_space<vmem>>, %arg32: memref<1x8x8xf32, #tpu.memory_space<vmem>>, %arg33: memref<256xf32, #tpu.memory_space<vmem>>, %arg34: memref<8x!tpu.dma_semaphore, #tpu.memory_space<semaphore_mem>>, %arg35: memref<!tpu.dma_semaphore, #tpu.memory_space<semaphore_mem>>) attributes {dimension_semantics = [#tpu.dimension_semantics<core_parallel>, #tpu.dimension_semantics<subcore_parallel>], iteration_bounds = array<i64: 2, 16>, scalar_prefetch = 0 : i64, scratch_operands = 19 : i64, tpu.core_type = #tpu.core_type<sc_vector_subcore>, window_params = [{transform_indices = #map}, {transform_indices = #map}, {transform_indices = #map}, {transform_indices = #map}, {transform_indices = #map}, {transform_indices = #map}, {transform_indices = #map}, {transform_indices = #map1}, {transform_indices = #map1}, {transform_indices = #map1}, {transform_indices = #map1}, {transform_indices = #map1}, {transform_indices = #map1}, {transform_indices = #map1}, {transform_indices = #map}]} {
    %eq3A = arith.constant 0 : i32
    %eq3A_0 = arith.cmpi eq, %arg0, %eq3A : i32
    %convert_element_type3A = arith.extui %eq3A_0 : i1 to i32
    %cond3A = arith.constant 0 : i32
    %cond3A_1 = arith.cmpi ne, %convert_element_type3A, %cond3A : i32
    scf.if %cond3A_1 {
      %iota3A = tpu.iota {dimensions = array<i32: 0>} : vector<16xi32>
      %broadcast_in_dim3A = arith.constant 0.000000e+00 : f32
      %broadcast_in_dim3A_2 = vector.broadcast %broadcast_in_dim3A : f32 to vector<16xf32>
      "tpu.region"() ({
        %run_scoped3A = tpu.sem_alloc : memref<!tpu.dma_semaphore, #tpu.memory_space<semaphore_mem>>
        tpu.enqueue_dma source(%arg2 : memref<16xi32, #tpu.memory_space<hbm>>) target(%arg17 : memref<16xi32, #tpu.memory_space<vmem>>) target_semaphore(%run_scoped3A : memref<!tpu.dma_semaphore, #tpu.memory_space<semaphore_mem>>)
        tpu.wait_dma2 semaphore(%run_scoped3A : memref<!tpu.dma_semaphore, #tpu.memory_space<semaphore_mem>>) src(%arg2 : memref<16xi32, #tpu.memory_space<hbm>>) dst(%arg17 : memref<16xi32, #tpu.memory_space<vmem>>)
        tpu.yield
      }) : () -> ()
      %get3A = arith.constant 0 : index
      %get3A_3 = tpu.vector_load %arg17[%get3A] {strides = array<i32>} : memref<16xi32, #tpu.memory_space<vmem>>, vector<16xi32>,
      %reduce_max3A = arith.constant true
      %reduce_max3A_4 = vector.broadcast %reduce_max3A : i1 to vector<16xi1>
      %reduce_max3A_5 = arith.constant -2147483648 : i32
      %reduce_max3A_6 = vector.broadcast %reduce_max3A_5 : i32 to vector<16xi32>
      %reduce_max3A_7 = arith.xori %get3A_3, %reduce_max3A_6 : vector<16xi32>
      %reduce_max3A_8 = tpu.scan <max>, %reduce_max3A_7 masked %reduce_max3A_4 : vector<16xi32>, vector<16xi1> -> vector<16xi32>
      %reduce_max3A_9 = arith.xori %reduce_max3A_8, %reduce_max3A_6 : vector<16xi32>
      %reduce_max3A_10 = vector.extract %reduce_max3A_9[15] : i32 from vector<16xi32>
      %jit3A = arith.constant 8 : i32
      %div3A = arith.divsi %reduce_max3A_10, %jit3A : i32
      %sign3A = arith.constant 0 : i32
      %sign3A_11 = arith.cmpi sgt, %reduce_max3A_10, %sign3A : i32
      %sign3A_12 = arith.extui %sign3A_11 : i1 to i32
      %sign3A_13 = arith.constant 0 : i32
      %sign3A_14 = arith.cmpi slt, %reduce_max3A_10, %sign3A_13 : i32
      %sign3A_15 = arith.extui %sign3A_14 : i1 to i32
      %sign3A_16 = arith.subi %sign3A_12, %sign3A_15 : i32
      %sign3A_17 = arith.constant 0 : i32
      %sign3A_18 = arith.cmpi sgt, %jit3A, %sign3A_17 : i32
      %sign3A_19 = arith.extui %sign3A_18 : i1 to i32
      %sign3A_20 = arith.constant 0 : i32
      %sign3A_21 = arith.cmpi slt, %jit3A, %sign3A_20 : i32
      %sign3A_22 = arith.extui %sign3A_21 : i1 to i32
      %sign3A_23 = arith.subi %sign3A_19, %sign3A_22 : i32
      %ne3A = arith.cmpi ne, %sign3A_16, %sign3A_23 : i32
      %rem3A = arith.remsi %reduce_max3A_10, %jit3A : i32
      %ne3A_24 = arith.constant 0 : i32
      %ne3A_25 = arith.cmpi ne, %rem3A, %ne3A_24 : i32
      %and3A = arith.andi %ne3A, %ne3A_25 : i1
      %sub3A = arith.constant 1 : i32
      %sub3A_26 = arith.subi %div3A, %sub3A : i32
      %select_n3A = arith.select %and3A, %sub3A_26, %div3A : i32
      %mul3A = arith.constant 8 : i32
      %mul3A_27 = arith.muli %select_n3A, %mul3A : i32
      %multiple_of3A = tpu.assume_multiple %mul3A_27, 8 : i32
      %sub3A_28 = arith.subi %reduce_max3A_10, %multiple_of3A : i32
      %broadcast_in_dim3A_29 = vector.broadcast %sub3A_28 : i32 to vector<16xi32>
      %add3A = arith.constant 0 : i32
      %add3A_30 = vector.broadcast %add3A : i32 to vector<16xi32>
      %add3A_31 = arith.addi %iota3A, %add3A_30 : vector<16xi32>
      tpu.vector_store_idx %arg33[%add3A_31], %broadcast_in_dim3A_2 : memref<256xf32, #tpu.memory_space<vmem>>[vector<16xi32>], vector<16xf32>,
      %add3A_32 = arith.constant 0 : i32
      %add3A_33 = vector.broadcast %add3A_32 : i32 to vector<16xi32>
      %add3A_34 = arith.addi %iota3A, %add3A_33 : vector<16xi32>
      %add3A_35 = arith.constant 16 : i32
      %add3A_36 = vector.broadcast %add3A_35 : i32 to vector<16xi32>
      %add3A_37 = arith.addi %add3A_34, %add3A_36 : vector<16xi32>
      tpu.vector_store_idx %arg33[%add3A_37], %broadcast_in_dim3A_2 : memref<256xf32, #tpu.memory_space<vmem>>[vector<16xi32>], vector<16xf32>,
      %add3A_38 = arith.constant 32 : i32
      %add3A_39 = vector.broadcast %add3A_38 : i32 to vector<16xi32>
      %add3A_40 = arith.addi %iota3A, %add3A_39 : vector<16xi32>
      tpu.vector_store_idx %arg33[%add3A_40], %broadcast_in_dim3A_2 : memref<256xf32, #tpu.memory_space<vmem>>[vector<16xi32>], vector<16xf32>,
      %add3A_41 = arith.constant 32 : i32
      %add3A_42 = vector.broadcast %add3A_41 : i32 to vector<16xi32>
      %add3A_43 = arith.addi %iota3A, %add3A_42 : vector<16xi32>
      %add3A_44 = arith.constant 16 : i32
      %add3A_45 = vector.broadcast %add3A_44 : i32 to vector<16xi32>
      %add3A_46 = arith.addi %add3A_43, %add3A_45 : vector<16xi32>
      tpu.vector_store_idx %arg33[%add3A_46], %broadcast_in_dim3A_2 : memref<256xf32, #tpu.memory_space<vmem>>[vector<16xi32>], vector<16xf32>,
      %add3A_47 = arith.constant 64 : i32
      %add3A_48 = vector.broadcast %add3A_47 : i32 to vector<16xi32>
      %add3A_49 = arith.addi %iota3A, %add3A_48 : vector<16xi32>
      tpu.vector_store_idx %arg33[%add3A_49], %broadcast_in_dim3A_2 : memref<256xf32, #tpu.memory_space<vmem>>[vector<16xi32>], vector<16xf32>,
      %add3A_50 = arith.constant 64 : i32
      %add3A_51 = vector.broadcast %add3A_50 : i32 to vector<16xi32>
      %add3A_52 = arith.addi %iota3A, %add3A_51 : vector<16xi32>
      %add3A_53 = arith.constant 16 : i32
      %add3A_54 = vector.broadcast %add3A_53 : i32 to vector<16xi32>
      %add3A_55 = arith.addi %add3A_52, %add3A_54 : vector<16xi32>
      tpu.vector_store_idx %arg33[%add3A_55], %broadcast_in_dim3A_2 : memref<256xf32, #tpu.memory_space<vmem>>[vector<16xi32>], vector<16xf32>,
      %add3A_56 = arith.constant 96 : i32
      %add3A_57 = vector.broadcast %add3A_56 : i32 to vector<16xi32>
      %add3A_58 = arith.addi %iota3A, %add3A_57 : vector<16xi32>
      tpu.vector_store_idx %arg33[%add3A_58], %broadcast_in_dim3A_2 : memref<256xf32, #tpu.memory_space<vmem>>[vector<16xi32>], vector<16xf32>,
      %add3A_59 = arith.constant 96 : i32
      %add3A_60 = vector.broadcast %add3A_59 : i32 to vector<16xi32>
      %add3A_61 = arith.addi %iota3A, %add3A_60 : vector<16xi32>
      %add3A_62 = arith.constant 16 : i32
      %add3A_63 = vector.broadcast %add3A_62 : i32 to vector<16xi32>
      %add3A_64 = arith.addi %add3A_61, %add3A_63 : vector<16xi32>
      tpu.vector_store_idx %arg33[%add3A_64], %broadcast_in_dim3A_2 : memref<256xf32, #tpu.memory_space<vmem>>[vector<16xi32>], vector<16xf32>,
      %add3A_65 = arith.constant 128 : i32
      %add3A_66 = vector.broadcast %add3A_65 : i32 to vector<16xi32>
      %add3A_67 = arith.addi %iota3A, %add3A_66 : vector<16xi32>
      tpu.vector_store_idx %arg33[%add3A_67], %broadcast_in_dim3A_2 : memref<256xf32, #tpu.memory_space<vmem>>[vector<16xi32>], vector<16xf32>,
      %add3A_68 = arith.constant 128 : i32
      %add3A_69 = vector.broadcast %add3A_68 : i32 to vector<16xi32>
      %add3A_70 = arith.addi %iota3A, %add3A_69 : vector<16xi32>
      %add3A_71 = arith.constant 16 : i32
      %add3A_72 = vector.broadcast %add3A_71 : i32 to vector<16xi32>
      %add3A_73 = arith.addi %add3A_70, %add3A_72 : vector<16xi32>
      tpu.vector_store_idx %arg33[%add3A_73], %broadcast_in_dim3A_2 : memref<256xf32, #tpu.memory_space<vmem>>[vector<16xi32>], vector<16xf32>,
      %add3A_74 = arith.constant 160 : i32
      %add3A_75 = vector.broadcast %add3A_74 : i32 to vector<16xi32>
      %add3A_76 = arith.addi %iota3A, %add3A_75 : vector<16xi32>
      tpu.vector_store_idx %arg33[%add3A_76], %broadcast_in_dim3A_2 : memref<256xf32, #tpu.memory_space<vmem>>[vector<16xi32>], vector<16xf32>,
      %add3A_77 = arith.constant 160 : i32
      %add3A_78 = vector.broadcast %add3A_77 : i32 to vector<16xi32>
      %add3A_79 = arith.addi %iota3A, %add3A_78 : vector<16xi32>
      %add3A_80 = arith.constant 16 : i32
      %add3A_81 = vector.broadcast %add3A_80 : i32 to vector<16xi32>
      %add3A_82 = arith.addi %add3A_79, %add3A_81 : vector<16xi32>
      tpu.vector_store_idx %arg33[%add3A_82], %broadcast_in_dim3A_2 : memref<256xf32, #tpu.memory_space<vmem>>[vector<16xi32>], vector<16xf32>,
      %add3A_83 = arith.constant 192 : i32
      %add3A_84 = vector.broadcast %add3A_83 : i32 to vector<16xi32>
      %add3A_85 = arith.addi %iota3A, %add3A_84 : vector<16xi32>
      tpu.vector_store_idx %arg33[%add3A_85], %broadcast_in_dim3A_2 : memref<256xf32, #tpu.memory_space<vmem>>[vector<16xi32>], vector<16xf32>,
      %add3A_86 = arith.constant 192 : i32
      %add3A_87 = vector.broadcast %add3A_86 : i32 to vector<16xi32>
      %add3A_88 = arith.addi %iota3A, %add3A_87 : vector<16xi32>
      %add3A_89 = arith.constant 16 : i32
      %add3A_90 = vector.broadcast %add3A_89 : i32 to vector<16xi32>
      %add3A_91 = arith.addi %add3A_88, %add3A_90 : vector<16xi32>
      tpu.vector_store_idx %arg33[%add3A_91], %broadcast_in_dim3A_2 : memref<256xf32, #tpu.memory_space<vmem>>[vector<16xi32>], vector<16xf32>,
      %add3A_92 = arith.constant 224 : i32
      %add3A_93 = vector.broadcast %add3A_92 : i32 to vector<16xi32>
      %add3A_94 = arith.addi %iota3A, %add3A_93 : vector<16xi32>
      tpu.vector_store_idx %arg33[%add3A_94], %broadcast_in_dim3A_2 : memref<256xf32, #tpu.memory_space<vmem>>[vector<16xi32>], vector<16xf32>,
      %add3A_95 = arith.constant 224 : i32
      %add3A_96 = vector.broadcast %add3A_95 : i32 to vector<16xi32>
      %add3A_97 = arith.addi %iota3A, %add3A_96 : vector<16xi32>
      %add3A_98 = arith.constant 16 : i32
      %add3A_99 = vector.broadcast %add3A_98 : i32 to vector<16xi32>
      %add3A_100 = arith.addi %add3A_97, %add3A_99 : vector<16xi32>
      tpu.vector_store_idx %arg33[%add3A_100], %broadcast_in_dim3A_2 : memref<256xf32, #tpu.memory_space<vmem>>[vector<16xi32>], vector<16xf32>,
      %mul3A_101 = arith.constant 256 : i32
      %mul3A_102 = arith.muli %arg1, %mul3A_101 : i32
      %multiple_of3A_103 = tpu.assume_multiple %mul3A_102, 8 : i32
      "tpu.region"() ({
        %run_scoped3A = tpu.sem_alloc : memref<!tpu.dma_semaphore, #tpu.memory_space<semaphore_mem>>
        %dma_start3A = tpu.memref_slice %arg16[%multiple_of3A_103] : memref<4096xf32, #tpu.memory_space<hbm>> -> memref<256xf32, #tpu.memory_space<hbm>>
        %dma_start3A_104 = tpu.memref_slice %arg16[%multiple_of3A_103] : memref<4096xf32, #tpu.memory_space<hbm>> -> memref<256xf32, #tpu.memory_space<hbm>>
        tpu.enqueue_dma source(%arg33 : memref<256xf32, #tpu.memory_space<vmem>>) target(%dma_start3A_104 : memref<256xf32, #tpu.memory_space<hbm>>) target_semaphore(%run_scoped3A : memref<!tpu.dma_semaphore, #tpu.memory_space<semaphore_mem>>)
        %dma_wait3A = tpu.memref_slice %arg16[%multiple_of3A_103] : memref<4096xf32, #tpu.memory_space<hbm>> -> memref<256xf32, #tpu.memory_space<hbm>>
        %dma_wait3A_105 = tpu.memref_slice %arg16[%multiple_of3A_103] : memref<4096xf32, #tpu.memory_space<hbm>> -> memref<256xf32, #tpu.memory_space<hbm>>
        tpu.wait_dma2 semaphore(%run_scoped3A : memref<!tpu.dma_semaphore, #tpu.memory_space<semaphore_mem>>) src(%arg33 : memref<256xf32, #tpu.memory_space<vmem>>) dst(%dma_wait3A_105 : memref<256xf32, #tpu.memory_space<hbm>>)
        tpu.yield
      }) : () -> ()
    } else {
    }
    return
  }
}

</mosaic_0001>

<sc_bundles>
// kernel: _sc_call.4.cloned.1.call-start
scs
__scs_entry_jumppad:
0x0: {  	(pc) =	sbr.rel $0x88, $3  }
0x1: {  	(tag) =	ssettag $0x0;
	lr =	simm.s32 $0x1  }
0x2: {  	[smem:$0x3F99] =	sst lr;
	_ =	strace $0xD0000000  }
0x3: {  	_ = 	snop  }
0x4: {  	_ = 	snop  }
0x5: {  	_ = 	snop  }
0x6: {  	_ = 	snop  }
0x7: {  	_ = 	snop  }
__scs_overlays_trampoline_lowered:
0x8: {  	[smem:$0x3FA8] =	sst s0  }
0x9: {  	[smem:$0x3FA9] =	sst s1  }
0xa: {  	[smem:$0x3FAA] =	sst s2  }
0xb: {  	[smem:$0x3FAB] =	sst s3  }
0xc: {  	[smem:$0x3FAC] =	sst s4  }
0xd: {  	[smem:$0x3FAD] =	sst s5  }
0xe: {  	[smem:$0x3FAE] =	sst s6  }
0xf: {  	[smem:$0x3FAF] =	sst s7  }
0x10: {  	[smem:$0x3FB0] =	sst s8  }
0x11: {  	[smem:$0x3FB1] =	sst s9;
	s0 =	simm.s32 @!p0 $0x0  }
0x12: {  	s1 =	sld [smem:$0x3F97];
	s0 =	simm.s32 @p0 $0x1  }
0x13: {  	[smem:$0x3FB2] =	sst s0;
	s0 =	simm.s32 @!p1 $0x0  }
0x14: {  	s2 =	sld [smem:$0x3F96];
	s0 =	simm.s32 @p1 $0x1  }
0x15: {  	[smem:$0x3FB3] =	sst s0;
	s0 =	simm.s32 @!p2 $0x0  }
0x16: {  	s3 =	sld [smem:$0x3FDB];
	s0 =	simm.s32 @p2 $0x1  }
0x17: {  	s4 =	simm.s32 $0x1BF5;
	[smem:$0x3FB5] =	sst s0  }
0x18: {  	s0 =	sld [smem:$0x3F98];
	_ =	swait.ge [sflag:s4], $0x0  }
0x19: {  	s7 =	sld [smem:$0x3F99]  }
0x1a: {  	s8 =	sadd.s32 $0xFFFFE003, lr  }
0x1b: {  	s9 =	sadd.s32 $0xFFFFFEF7, lr;
	s5 =	simm.s32 $0xFFFFFFFF;
	p2 =	slt.u32 s8, $0xFFFFF086  }
0x1c: {  	p1 =	slt.u32 s9, $0xF7A;
	s5 =	simm.s32 @!p2 $0x0  }
0x1d: {  	s5 =	simm.s32 @p1 $0x1;
	p0 =	seq.s32 s7, s2  }
0x1e: {  	s7 =	smul.u32 @!p0 $0xF7A, s2;
	p2 =	seq.s32 @!p0 s5, $0x0  }
0x1f: {  	s9 =	smul.u32 $0xF7A, s1;
	s8 =	simm.s32 @!p0 $0x1BF5;
	p2 =	por !p2, p0  }
0x20: {  	[sflag:s8] =	ssyncset.s32 @!p0 $0xFFFFF086;
	s6 =	sadd.s32 @!p0 s3, s7;
	s7 =	simm.s32 @!p0 $0x108  }
0x21: {  	s3 =	sadd.s32 s3, s9;
	s6 =	sadd.s32 @!p0 $0x88, s6;
	s7 =	simm.s32 @p2 $0x1082  }
0x22: {  	[simem:s7], [sflag:s8] =	dma.local @!p0 [hbm:s6], $0xF7A  }
0x23: {  	s9 =	sor.u32 $0xD0000000, s2;
	s6 =	simm.s32 $0x108;
	_ =	swait.ge @!p0 [sflag:s8], $0x0  }
0x24: {  	s3 =	sadd.s32 $0x88, s3;
	s6 =	simm.s32 @!p1 $0x1082;
	[sflag:s4] =	ssyncset.s32 $0xFFFFF086  }
0x25: {  	[simem:s6], [sflag:s4] =	dma.local [hbm:s3], $0xF7A  }
0x26: {  	[smem:$0x3F99] =	sst s1;
	(tag) =	ssettag s2;
	_ =	strace s9  }
0x27: {  	s1 =	sld [smem:$0x3FA9]  }
0x28: {  	s2 =	sld [smem:$0x3FAA]  }
0x29: {  	s4 =	sld [smem:$0x3FAC]  }
0x2a: {  	p0 =	seq.s32 s5, $0x0;
	s5 =	sld [smem:$0x3FAD]  }
0x2b: {  	s6 =	sld [smem:$0x3FAE]  }
0x2c: {  	s7 =	sld [smem:$0x3FAF]  }
0x2d: {  	s3 =	simm.s32 $0x108;
	s8 =	sld [smem:$0x3FB0]  }
0x2e: {  	s3 =	simm.s32 @!p0 $0x1082;
	s9 =	sld [smem:$0x3FB1]  }
0x2f: {  	lr =	sadd.s32 s0, s3;
	s0 =	sld [smem:$0x3FA8]  }
0x30: {  	s3 =	sld [smem:$0x3FAB]  }
0x31: {  	[smem:$0x3FB4] =	sst s10  }
0x32: {  	s10 =	sld [smem:$0x3FB2];
	_ =	sdelay $0x3  }
0x33: {  	p0 =	seq.s32 s10, $0x1;
	s10 =	sld [smem:$0x3FB4];
	_ =	sdelay $0x3  }
0x34: {  	[smem:$0x3FB4] =	sst s10  }
0x35: {  	s10 =	sld [smem:$0x3FB3];
	_ =	sdelay $0x3  }
0x36: {  	p1 =	seq.s32 s10, $0x1;
	s10 =	sld [smem:$0x3FB4];
	_ =	sdelay $0x3  }
0x37: {  	[smem:$0x3FB4] =	sst s10  }
0x38: {  	s10 =	sld [smem:$0x3FB5]  }
0x39: {  	_ = 	snop;
	(pc) =	sbr.ind lr, $3  }
0x3a: {  	_ = 	snop  }
0x3b: {  	_ = 	snop  }
0x3c: {  	p2 =	seq.s32 s10, $0x1;
	s10 =	sld [smem:$0x3FB4]  }
0x3d: {  	_ =	shalt  }
0x3e: {  	_ =	shalt  }
0x3f: {  	_ =	shalt  }
0x40: {  	_ =	shalt  }
0x41: {  	_ =	shalt  }
0x42: {  	_ =	shalt  }
0x43: {  	_ =	shalt  }
0x44: {  	_ =	shalt  }
0x45: {  	_ =	shalt  }
0x46: {  	_ =	shalt  }
0x47: {  	_ =	shalt  }
0x48: {  	_ =	shalt  }
0x49: {  	_ =	shalt  }
0x4a: {  	_ =	shalt  }
0x4b: {  	_ =	shalt  }
0x4c: {  	_ =	shalt  }
0x4d: {  	_ =	shalt  }
0x4e: {  	_ =	shalt  }
0x4f: {  	_ =	shalt  }
0x50: {  	_ =	shalt  }
0x51: {  	_ =	shalt  }
0x52: {  	_ =	shalt  }
0x53: {  	_ =	shalt  }
0x54: {  	_ =	shalt  }
0x55: {  	_ =	shalt  }
0x56: {  	_ =	shalt  }
0x57: {  	_ =	shalt  }
0x58: {  	_ =	shalt  }
0x59: {  	_ =	shalt  }
0x5a: {  	_ =	shalt  }
0x5b: {  	_ =	shalt  }
0x5c: {  	_ =	shalt  }
0x5d: {  	_ =	shalt  }
0x5e: {  	_ =	shalt  }
0x5f: {  	_ =	shalt  }
0x60: {  	_ =	shalt  }
0x61: {  	_ =	shalt  }
0x62: {  	_ =	shalt  }
0x63: {  	_ =	shalt  }
0x64: {  	_ =	shalt  }
0x65: {  	_ =	shalt  }
0x66: {  	_ =	shalt  }
0x67: {  	_ =	shalt  }
0x68: {  	_ =	shalt  }
0x69: {  	_ =	shalt  }
0x6a: {  	_ =	shalt  }
0x6b: {  	_ =	shalt  }
0x6c: {  	_ =	shalt  }
0x6d: {  	_ =	shalt  }
0x6e: {  	_ =	shalt  }
0x6f: {  	_ =	shalt  }
0x70: {  	_ =	shalt  }
0x71: {  	_ =	shalt  }
0x72: {  	_ =	shalt  }
0x73: {  	_ =	shalt  }
0x74: {  	_ =	shalt  }
0x75: {  	_ =	shalt  }
0x76: {  	_ =	shalt  }
0x77: {  	_ =	shalt  }
0x78: {  	_ =	shalt  }
0x79: {  	_ =	shalt  }
0x7a: {  	_ =	shalt  }
0x7b: {  	_ =	shalt  }
0x7c: {  	_ =	shalt  }
0x7d: {  	_ =	shalt  }
0x7e: {  	_ =	shalt  }
0x7f: {  	_ =	shalt  }
0x80: {  	_ =	shalt  }
0x81: {  	_ =	shalt  }
0x82: {  	_ =	shalt  }
0x83: {  	_ =	shalt  }
0x84: {  	_ =	shalt  }
0x85: {  	_ =	shalt  }
0x86: {  	_ =	shalt  }
0x87: {  	_ =	shalt  }
.Lfunc_end0:
.L_simem_size_0:
called_computation_lowered:
.L_overlay_start_0:
0x88: {  	s2 =	sld [smem:$0x3FD9]  }
0x89: {  	s3 =	sld [smem:$0x3FFE];
	_ =	sdelay $0x1  }
0x8a: {  	s1 =	srdreg.scid  }
0x8b: {  	s0 =	sand.u32 $0x1, s1  }
0x8c: {  	s17 =	sshll.u32 s0, $0xA;
	s2 =	sadd.s32 s3, s2  }
0x8d: {  	s2 =	sadd.s32 s2, s17  }
0x8e: {  	[smem:$0x3FC0] =	sst s2  }
0x8f: {  	_ = 	snop  }
0x90: {  	s2 =	sld [smem:$0x3FC9];
	(tm) =	ssettm $0x1  }
0x91: {  	s18 =	sld [smem:$0x3FFB];
	_ =	sdelay $0x3  }
0x92: {  	_ =	strace s18  }
0x93: {  	s3 =	sld [smem:$0x3FFC];
	_ =	sdelay $0x3  }
0x94: {  	_ =	strace s3  }
0x95: {  	s3 =	sld [smem:$0x3FFD];
	_ =	sdelay $0x3  }
0x96: {  	_ =	strace s3  }
0x97: {  	_ =	strace $0x8FFFFFFF  }
0x98: {  	s19 =	sld [smem:$0x3FDB];
	_ =	sdelay $0x1  }
0x99: {  	s4 =	simm.s32 $_scs_section_size  }
0x9a: {  	s5 =	simm.s32 $_size__tile_overlayer_lowered;
	s6 =	simm.s32 $_tile_overlayer_lowered  }
0x9b: {  	s22 =	simm.s32 $0x1BFF;
	s21 =	sshll.u32 s6, $0x1;
	s3 =	sadd.s32 s4, s19  }
0x9c: {  	s7 =	simm.s32 $0x0;
	s20 =	sshll.u32 s5, $0x1;
	s5 =	sadd.s32 s21, s3  }
0x9d: {  	[timem:s7], [sflag:s22] =	dma.local [hbm:s5], s20  }
0x9e: {  	_ =	swait.ge [sflag:s22], s20  }
0x9f: {  	s4 =	ssub.s32 $0x0, s20;
	[sflag:s22] =	ssyncset.done $0x0  }
0xa0: {  	[sflag:s22] =	ssyncadd.s32 s4;
	_ =	sdelay $0x1  }
0xa1: {  	s23 =	simm.s32 $0x1B8B  }
0xa2: {  	_ =	swait.ge [sflag:s23], $0x1  }
0xa3: {  	[sflag:s23] =	ssyncset.done $0x0  }
0xa4: {  	s25 =	simm.s32 $0x1B8E;
	s24 =	sld [smem:$0x3FFE];
	[sflag:s23] =	ssyncadd.s32 $0xFFFFFFFF  }
0xa5: {  	s26 =	simm.s32 $execute0_lowered;
	[smem:$0x3FD2] =	sst s25  }
0xa6: {  	s5 =	sshll.u32 s26, $0x1;
	_ =	strace $0x80000046;
	[dreg:$0x1] =	wrdreg $0xFFFFFFFF  }
0xa7: {  	s28 =	simm.s32 $_size_execute0_lowered;
	s3 =	sadd.s32 s3, s5;
	[dreg:$0x0] =	wrdreg $0x0  }
0xa8: {  	s5 =	sshll.u32 s28, $0x1;
	[dreg:$0x2] =	wrdreg s3  }
0xa9: {  	[dreg:$0x3] =	wrdreg s5  }
0xaa: {  	[dreg:$0x4] =	wrdreg $0xC0  }
0xab: {  	_ =	task [dreg:s7], $0x5FFFF  }
0xac: {  	[dreg:$0x1] =	wrdreg $0xFFFFFFFF  }
0xad: {  	[dreg:$0x0] =	wrdreg $0x60  }
0xae: {  	[dreg:$0x2] =	wrdreg s2  }
0xaf: {  	[dreg:$0x3] =	wrdreg s24  }
0xb0: {  	[dreg:$0x4] =	wrdreg $0x9  }
0xb1: {  	_ =	task.clear_ibuf [dreg:s7], $0x5FFFF;
	_ =	strace $0x90000046  }
0xb2: {  	s29 =	simm.s32 $0x9;
	_ =	strace $0x80000048  }
0xb3: {  	_ =	swait.ge [sflag:s29], $0x1  }
0xb4: {  	[sflag:s29] =	ssyncadd.s32 $0xFFFFFFFF  }
0xb5: {  	_ =	strace $0x90000048  }
0xb6: {  	_ =	sfence  }
0xb7: {  	s30 =	sld [smem:$0x0];
	_ =	sdelay $0x2  }
0xb8: {  	s31 =	sshll.u32 s1, $0xD;
	s1 =	sshrl.u32 s1, $0x2  }
0xb9: {  	s3 =	sand.u32 $0x4000, s31;
	s1 =	sadd.s32 s1, s30  }
0xba: {  	s0 =	sor.u32 s3, s0;
	s1 =	sshll.u32 s1, $0x11  }
0xbb: {  	s0 =	sor.u32 s1, s0  }
0xbc: {  	s0 =	sadd.s32 $0x8F2B, s0  }
0xbd: {  	[sflag:s0] =	ssyncadd.remote.s32 $0x1  }
0xbe: {  	_ =	sfence.sel $0xFFFF  }
0xbf: {  	[dreg:$0x0] =	wrdreg $0xFFFFFFFF;
	(pc) =	sbr.abs _section_cstart, $3  }
0xc0: {  	[dreg:$0x1] =	wrdreg $0xFFFFFFFF  }
0xc1: {  	_ =	task.clear_ibuf [dreg:s7], $0x2FFFF;
	_ =	strace $0x9FFFFFFF  }
0xc2: {  	(tm) =	ssettm $0x7FFFFFFF  }
0xc3: {  	_ =	shalt  }
tec
execute0_lowered:
.L_overlay_start_1:
0x0: {  	(tag) =	ssettag $0x1  }
0x1: {  	s0 =	rddreg [dreg:$0x0];
	s2 =	srdreg.scid  }
0x2: {  	s1 =	rddreg [dreg:$0x1];
	s4 =	simm.s32 $0x0;
	s2 =	sand.u32 $0x1, s2  }
0x3: {  	[smem:$0x7FF] =	sst s4;
	p0 =	seq.s32 s2, $0x1  }
0x4: {  	s3 =	rddreg [dreg:$0x2];
	_ =	strace $0x80000047;
	s2 =	simm.s32 @!p0 $0x0  }
0x5: {  	v0 =	vlaneseq.u32 @!p0;
	[tilespmem:s2], [sflag:$0x1] =	stream.linear.gather @!p0 [hbm4b:s0+s2], $0x80, $0x38;
	[tilespmem:$0x180] =	vst v63  }
0x6: {  	s0 =	simm.s32 @!p0 $0x1;
	v1 =	vor.u32 @!p0 $0x10, v0  }
0x7: {  	v2 =	vor.u32 @!p0 $0x20, v0;
	_ =	swait.ge @!p0 [sflag:s0], $0x80  }
0x8: {  	v3 =	vor.u32 @!p0 $0x30, v0;
	[sflag:s0] =	ssyncset.done @!p0 $0x0  }
0x9: {  	v4 =	vimm.f32 @!p0 $0.0e+00;
	s4 =	simm.s32 @!p0 $0x80;
	v5 =	vor.u32 @!p0 $0x40, v0;
	[sflag:s0] =	ssyncadd.s32 @!p0 $0xFFFFFF80  }
0xa: {  	v6 =	vor.u32 @!p0 $0x50, v0;
	[tilespmem:v0+s4+$0x0] =	vst.idx.msk @!p0 $0xffff, v4  }
0xb: {  	[tilespmem:v1+s4+$0x0] =	vst.idx.msk @!p0 $0xffff, v4;
	v1 =	vor.u32 @!p0 $0x60, v0  }
0xc: {  	[tilespmem:v2+s4+$0x0] =	vst.idx.msk @!p0 $0xffff, v4;
	v2 =	vor.u32 @!p0 $0x70, v0  }
0xd: {  	[tilespmem:v3+s4+$0x0] =	vst.idx.msk @!p0 $0xffff, v4;
	v3 =	vor.u32 @!p0 $0x80, v0  }
0xe: {  	[tilespmem:v5+s4+$0x0] =	vst.idx.msk @!p0 $0xffff, v4;
	v5 =	vor.u32 @!p0 $0x90, v0  }
0xf: {  	[tilespmem:v6+s4+$0x0] =	vst.idx.msk @!p0 $0xffff, v4;
	v6 =	vor.u32 @!p0 $0xA0, v0  }
0x10: {  	[tilespmem:v1+s4+$0x0] =	vst.idx.msk @!p0 $0xffff, v4;
	v1 =	vor.u32 @!p0 $0xB0, v0  }
0x11: {  	[tilespmem:v2+s4+$0x0] =	vst.idx.msk @!p0 $0xffff, v4;
	v2 =	vor.u32 @!p0 $0xC0, v0  }
0x12: {  	[tilespmem:v3+s4+$0x0] =	vst.idx.msk @!p0 $0xffff, v4;
	v3 =	vor.u32 @!p0 $0xD0, v0  }
0x13: {  	[tilespmem:v5+s4+$0x0] =	vst.idx.msk @!p0 $0xffff, v4;
	v5 =	vor.u32 @!p0 $0xE0, v0  }
0x14: {  	v0 =	vor.u32 @!p0 $0xF0, v0;
	[tilespmem:v6+s4+$0x0] =	vst.idx.msk @!p0 $0xffff, v4  }
0x15: {  	[tilespmem:v1+s4+$0x0] =	vst.idx.msk @!p0 $0xffff, v4  }
0x16: {  	[tilespmem:v2+s4+$0x0] =	vst.idx.msk @!p0 $0xffff, v4  }
0x17: {  	s5 =	stileid.u32;
	[tilespmem:v3+s4+$0x0] =	vst.idx.msk @!p0 $0xffff, v4  }
0x18: {  	s1 =	sadd.s32 $0x1C3E00, s1;
	s6 =	sshll.u32 @!p0 s5, $0x5;
	[tilespmem:v5+s4+$0x0] =	vst.idx.msk @!p0 $0xffff, v4  }
0x19: {  	s1 =	sadd.s32 @!p0 s1, s6;
	[tilespmem:v0+s4+$0x0] =	vst.idx.msk @!p0 $0xffff, v4  }
0x1a: {  	[hbm4b:s1+s2] =	stream.linear.scatter @!p0 [tilespmem:s4], [sflag:$0x1], $0x100, $0x38;
	[tilespmem:$0x180] =	vst v63  }
0x1b: {  	_ =	swait.ge @!p0 [sflag:s0], $0x100  }
0x1c: {  	[sflag:s0] =	ssyncset.done @!p0 $0x0  }
0x1d: {  	[sflag:s0] =	ssyncadd.s32 @!p0 $0xFFFFFF00  }
0x1e: {  	_ =	sfence.sel $0x180000  }
0x1f: {  	[bflag:$0x0] =	sbarrier.arrive $0xFFFF  }
0x20: {  	p0 =	sne.s32 s5, $0x0;
	_ =	strace $0x90000047  }
0x21: {  	s0 =	sadd.s32 @!p0 $0x100000, s3;
	[bflag:$0x2] =	sbarrier.arrive $0xFFFF  }
0x22: {  	[sflag:s0] =	ssyncadd.tile.s32 @!p0 $0x1;
	_ =	shalt  }
.Lfunc_end2:
_tile_overlayer_lowered:
.L_overlay_start_2:
0x23: {  	(tag) =	ssettag $0x2  }
0x24: {  	s0 =	rddreg [dreg:$0x0];
	s2 =	stileid.u32  }
0x25: {  	s1 =	rddreg [dreg:$0x1];
	p0 =	sne.s32 s2, $0x0  }
0x26: {  	s3 =	rddreg [dreg:$0x2];
	[bflag:$0x3] =	sbarrier.arrive $0xFFFF;
	s2 =	simm.s32 @!p0 $0x1C01  }
0x27: {  	[timem:s3], [sflag:s2] =	dma.local @!p0 [hbm:s0], s1  }
0x28: {  	s0 =	simm.s32 @!p0 $0x1  }
0x29: {  	_ =	swait.ge @!p0 [sflag:s0], s1  }
0x2a: {  	s1 =	ssub.s32 @!p0 $0x0, s1;
	[sflag:s0] =	ssyncset.done @!p0 $0x0  }
0x2b: {  	[sflag:s0] =	ssyncadd.s32 @!p0 s1  }
0x2c: {  	[bflag:$0x3] =	sbarrier.arrive $0xFFFF  }
0x2d: {  	_ =	shalt  }

// kernel: _sc_call.7.cloned.1.call-start
scs
__scs_entry_jumppad:
0x0: {  	(pc) =	sbr.rel $0x88, $3  }
0x1: {  	(tag) =	ssettag $0x0;
	lr =	simm.s32 $0x1  }
0x2: {  	[smem:$0x3F99] =	sst lr;
	_ =	strace $0xD0000000  }
0x3: {  	_ = 	snop  }
0x4: {  	_ = 	snop  }
0x5: {  	_ = 	snop  }
0x6: {  	_ = 	snop  }
0x7: {  	_ = 	snop  }
__scs_overlays_trampoline_lowered:
0x8: {  	[smem:$0x3FA8] =	sst s0  }
0x9: {  	[smem:$0x3FA9] =	sst s1  }
0xa: {  	[smem:$0x3FAA] =	sst s2  }
0xb: {  	[smem:$0x3FAB] =	sst s3  }
0xc: {  	[smem:$0x3FAC] =	sst s4  }
0xd: {  	[smem:$0x3FAD] =	sst s5  }
0xe: {  	[smem:$0x3FAE] =	sst s6  }
0xf: {  	[smem:$0x3FAF] =	sst s7  }
0x10: {  	[smem:$0x3FB0] =	sst s8  }
0x11: {  	[smem:$0x3FB1] =	sst s9;
	s0 =	simm.s32 @!p0 $0x0  }
0x12: {  	s1 =	sld [smem:$0x3F97];
	s0 =	simm.s32 @p0 $0x1  }
0x13: {  	[smem:$0x3FB2] =	sst s0;
	s0 =	simm.s32 @!p1 $0x0  }
0x14: {  	s2 =	sld [smem:$0x3F96];
	s0 =	simm.s32 @p1 $0x1  }
0x15: {  	[smem:$0x3FB3] =	sst s0;
	s0 =	simm.s32 @!p2 $0x0  }
0x16: {  	s3 =	sld [smem:$0x3FDB];
	s0 =	simm.s32 @p2 $0x1  }
0x17: {  	s4 =	simm.s32 $0x1BF5;
	[smem:$0x3FB5] =	sst s0  }
0x18: {  	s0 =	sld [smem:$0x3F98];
	_ =	swait.ge [sflag:s4], $0x0  }
0x19: {  	s7 =	sld [smem:$0x3F99]  }
0x1a: {  	s8 =	sadd.s32 $0xFFFFE003, lr  }
0x1b: {  	s9 =	sadd.s32 $0xFFFFFEF7, lr;
	s5 =	simm.s32 $0xFFFFFFFF;
	p2 =	slt.u32 s8, $0xFFFFF086  }
0x1c: {  	p1 =	slt.u32 s9, $0xF7A;
	s5 =	simm.s32 @!p2 $0x0  }
0x1d: {  	s5 =	simm.s32 @p1 $0x1;
	p0 =	seq.s32 s7, s2  }
0x1e: {  	s7 =	smul.u32 @!p0 $0xF7A, s2;
	p2 =	seq.s32 @!p0 s5, $0x0  }
0x1f: {  	s9 =	smul.u32 $0xF7A, s1;
	s8 =	simm.s32 @!p0 $0x1BF5;
	p2 =	por !p2, p0  }
0x20: {  	[sflag:s8] =	ssyncset.s32 @!p0 $0xFFFFF086;
	s6 =	sadd.s32 @!p0 s3, s7;
	s7 =	simm.s32 @!p0 $0x108  }
0x21: {  	s3 =	sadd.s32 s3, s9;
	s6 =	sadd.s32 @!p0 $0x88, s6;
	s7 =	simm.s32 @p2 $0x1082  }
0x22: {  	[simem:s7], [sflag:s8] =	dma.local @!p0 [hbm:s6], $0xF7A  }
0x23: {  	s9 =	sor.u32 $0xD0000000, s2;
	s6 =	simm.s32 $0x108;
	_ =	swait.ge @!p0 [sflag:s8], $0x0  }
0x24: {  	s3 =	sadd.s32 $0x88, s3;
	s6 =	simm.s32 @!p1 $0x1082;
	[sflag:s4] =	ssyncset.s32 $0xFFFFF086  }
0x25: {  	[simem:s6], [sflag:s4] =	dma.local [hbm:s3], $0xF7A  }
0x26: {  	[smem:$0x3F99] =	sst s1;
	(tag) =	ssettag s2;
	_ =	strace s9  }
0x27: {  	s1 =	sld [smem:$0x3FA9]  }
0x28: {  	s2 =	sld [smem:$0x3FAA]  }
0x29: {  	s4 =	sld [smem:$0x3FAC]  }
0x2a: {  	p0 =	seq.s32 s5, $0x0;
	s5 =	sld [smem:$0x3FAD]  }
0x2b: {  	s6 =	sld [smem:$0x3FAE]  }
0x2c: {  	s7 =	sld [smem:$0x3FAF]  }
0x2d: {  	s3 =	simm.s32 $0x108;
	s8 =	sld [smem:$0x3FB0]  }
0x2e: {  	s3 =	simm.s32 @!p0 $0x1082;
	s9 =	sld [smem:$0x3FB1]  }
0x2f: {  	lr =	sadd.s32 s0, s3;
	s0 =	sld [smem:$0x3FA8]  }
0x30: {  	s3 =	sld [smem:$0x3FAB]  }
0x31: {  	[smem:$0x3FB4] =	sst s10  }
0x32: {  	s10 =	sld [smem:$0x3FB2];
	_ =	sdelay $0x3  }
0x33: {  	p0 =	seq.s32 s10, $0x1;
	s10 =	sld [smem:$0x3FB4];
	_ =	sdelay $0x3  }
0x34: {  	[smem:$0x3FB4] =	sst s10  }
0x35: {  	s10 =	sld [smem:$0x3FB3];
	_ =	sdelay $0x3  }
0x36: {  	p1 =	seq.s32 s10, $0x1;
	s10 =	sld [smem:$0x3FB4];
	_ =	sdelay $0x3  }
0x37: {  	[smem:$0x3FB4] =	sst s10  }
0x38: {  	s10 =	sld [smem:$0x3FB5]  }
0x39: {  	_ = 	snop;
	(pc) =	sbr.ind lr, $3  }
0x3a: {  	_ = 	snop  }
0x3b: {  	_ = 	snop  }
0x3c: {  	p2 =	seq.s32 s10, $0x1;
	s10 =	sld [smem:$0x3FB4]  }
0x3d: {  	_ =	shalt  }
0x3e: {  	_ =	shalt  }
0x3f: {  	_ =	shalt  }
0x40: {  	_ =	shalt  }
0x41: {  	_ =	shalt  }
0x42: {  	_ =	shalt  }
0x43: {  	_ =	shalt  }
0x44: {  	_ =	shalt  }
0x45: {  	_ =	shalt  }
0x46: {  	_ =	shalt  }
0x47: {  	_ =	shalt  }
0x48: {  	_ =	shalt  }
0x49: {  	_ =	shalt  }
0x4a: {  	_ =	shalt  }
0x4b: {  	_ =	shalt  }
0x4c: {  	_ =	shalt  }
0x4d: {  	_ =	shalt  }
0x4e: {  	_ =	shalt  }
0x4f: {  	_ =	shalt  }
0x50: {  	_ =	shalt  }
0x51: {  	_ =	shalt  }
0x52: {  	_ =	shalt  }
0x53: {  	_ =	shalt  }
0x54: {  	_ =	shalt  }
0x55: {  	_ =	shalt  }
0x56: {  	_ =	shalt  }
0x57: {  	_ =	shalt  }
0x58: {  	_ =	shalt  }
0x59: {  	_ =	shalt  }
0x5a: {  	_ =	shalt  }
0x5b: {  	_ =	shalt  }
0x5c: {  	_ =	shalt  }
0x5d: {  	_ =	shalt  }
0x5e: {  	_ =	shalt  }
0x5f: {  	_ =	shalt  }
0x60: {  	_ =	shalt  }
0x61: {  	_ =	shalt  }
0x62: {  	_ =	shalt  }
0x63: {  	_ =	shalt  }
0x64: {  	_ =	shalt  }
0x65: {  	_ =	shalt  }
0x66: {  	_ =	shalt  }
0x67: {  	_ =	shalt  }
0x68: {  	_ =	shalt  }
0x69: {  	_ =	shalt  }
0x6a: {  	_ =	shalt  }
0x6b: {  	_ =	shalt  }
0x6c: {  	_ =	shalt  }
0x6d: {  	_ =	shalt  }
0x6e: {  	_ =	shalt  }
0x6f: {  	_ =	shalt  }
0x70: {  	_ =	shalt  }
0x71: {  	_ =	shalt  }
0x72: {  	_ =	shalt  }
0x73: {  	_ =	shalt  }
0x74: {  	_ =	shalt  }
0x75: {  	_ =	shalt  }
0x76: {  	_ =	shalt  }
0x77: {  	_ =	shalt  }
0x78: {  	_ =	shalt  }
0x79: {  	_ =	shalt  }
0x7a: {  	_ =	shalt  }
0x7b: {  	_ =	shalt  }
0x7c: {  	_ =	shalt  }
0x7d: {  	_ =	shalt  }
0x7e: {  	_ =	shalt  }
0x7f: {  	_ =	shalt  }
0x80: {  	_ =	shalt  }
0x81: {  	_ =	shalt  }
0x82: {  	_ =	shalt  }
0x83: {  	_ =	shalt  }
0x84: {  	_ =	shalt  }
0x85: {  	_ =	shalt  }
0x86: {  	_ =	shalt  }
0x87: {  	_ =	shalt  }
.Lfunc_end0:
.L_simem_size_0:
called_computation.1_lowered:
.L_overlay_start_0:
0x88: {  	s2 =	sld [smem:$0x3FD9]  }
0x89: {  	s3 =	sld [smem:$0x3FFE];
	_ =	sdelay $0x1  }
0x8a: {  	s1 =	srdreg.scid  }
0x8b: {  	s0 =	sand.u32 $0x1, s1  }
0x8c: {  	s17 =	sshll.u32 s0, $0xA;
	s2 =	sadd.s32 s3, s2  }
0x8d: {  	s2 =	sadd.s32 s2, s17  }
0x8e: {  	[smem:$0x3FC0] =	sst s2  }
0x8f: {  	_ = 	snop  }
0x90: {  	s2 =	sld [smem:$0x3FD0];
	(tm) =	ssettm $0x1  }
0x91: {  	s18 =	sld [smem:$0x3FFB];
	_ =	sdelay $0x3  }
0x92: {  	_ =	strace s18  }
0x93: {  	s3 =	sld [smem:$0x3FFC];
	_ =	sdelay $0x3  }
0x94: {  	_ =	strace s3  }
0x95: {  	s3 =	sld [smem:$0x3FFD];
	_ =	sdelay $0x3  }
0x96: {  	_ =	strace s3  }
0x97: {  	_ =	strace $0x8FFFFFFF  }
0x98: {  	s19 =	sld [smem:$0x3FDB];
	_ =	sdelay $0x1  }
0x99: {  	s4 =	simm.s32 $_scs_section_size  }
0x9a: {  	s5 =	simm.s32 $_size__tile_overlayer_lowered;
	s6 =	simm.s32 $_tile_overlayer_lowered  }
0x9b: {  	s22 =	simm.s32 $0x1BFF;
	s21 =	sshll.u32 s6, $0x1;
	s3 =	sadd.s32 s4, s19  }
0x9c: {  	s7 =	simm.s32 $0x0;
	s20 =	sshll.u32 s5, $0x1;
	s5 =	sadd.s32 s21, s3  }
0x9d: {  	[timem:s7], [sflag:s22] =	dma.local [hbm:s5], s20  }
0x9e: {  	_ =	swait.ge [sflag:s22], s20  }
0x9f: {  	s4 =	ssub.s32 $0x0, s20;
	[sflag:s22] =	ssyncset.done $0x0  }
0xa0: {  	[sflag:s22] =	ssyncadd.s32 s4;
	_ =	sdelay $0x1  }
0xa1: {  	s23 =	simm.s32 $0x1B8B  }
0xa2: {  	_ =	swait.ge [sflag:s23], $0x1  }
0xa3: {  	[sflag:s23] =	ssyncset.done $0x0  }
0xa4: {  	s25 =	simm.s32 $0x1B8E;
	s24 =	sld [smem:$0x3FFE];
	[sflag:s23] =	ssyncadd.s32 $0xFFFFFFFF  }
0xa5: {  	s26 =	simm.s32 $execute0_lowered;
	[smem:$0x3FD2] =	sst s25  }
0xa6: {  	s5 =	sshll.u32 s26, $0x1;
	_ =	strace $0x80000049;
	[dreg:$0x1] =	wrdreg $0xFFFFFFFF  }
0xa7: {  	s28 =	simm.s32 $_size_execute0_lowered;
	s3 =	sadd.s32 s3, s5;
	[dreg:$0x0] =	wrdreg $0x0  }
0xa8: {  	s5 =	sshll.u32 s28, $0x1;
	[dreg:$0x2] =	wrdreg s3  }
0xa9: {  	[dreg:$0x3] =	wrdreg s5  }
0xaa: {  	[dreg:$0x4] =	wrdreg $0xC0  }
0xab: {  	_ =	task [dreg:s7], $0x5FFFF  }
0xac: {  	[dreg:$0x1] =	wrdreg $0xFFFFFFFF  }
0xad: {  	[dreg:$0x0] =	wrdreg $0x60  }
0xae: {  	[dreg:$0x2] =	wrdreg s24  }
0xaf: {  	[dreg:$0x3] =	wrdreg s2  }
0xb0: {  	[dreg:$0x4] =	wrdreg $0x9  }
0xb1: {  	_ =	task.clear_ibuf [dreg:s7], $0x5FFFF;
	_ =	strace $0x90000049  }
0xb2: {  	s29 =	simm.s32 $0x9;
	_ =	strace $0x8000004B  }
0xb3: {  	_ =	swait.ge [sflag:s29], $0x1  }
0xb4: {  	[sflag:s29] =	ssyncadd.s32 $0xFFFFFFFF  }
0xb5: {  	_ =	strace $0x9000004B  }
0xb6: {  	_ =	sfence  }
0xb7: {  	s30 =	sld [smem:$0x0];
	_ =	sdelay $0x2  }
0xb8: {  	s31 =	sshll.u32 s1, $0xD;
	s1 =	sshrl.u32 s1, $0x2  }
0xb9: {  	s3 =	sand.u32 $0x4000, s31;
	s1 =	sadd.s32 s1, s30  }
0xba: {  	s0 =	sor.u32 s3, s0;
	s1 =	sshll.u32 s1, $0x11  }
0xbb: {  	s0 =	sor.u32 s1, s0  }
0xbc: {  	s0 =	sadd.s32 $0x8F2B, s0  }
0xbd: {  	[sflag:s0] =	ssyncadd.remote.s32 $0x1  }
0xbe: {  	_ =	sfence.sel $0xFFFF  }
0xbf: {  	[dreg:$0x0] =	wrdreg $0xFFFFFFFF;
	(pc) =	sbr.abs _section_cstart, $3  }
0xc0: {  	[dreg:$0x1] =	wrdreg $0xFFFFFFFF  }
0xc1: {  	_ =	task.clear_ibuf [dreg:s7], $0x2FFFF;
	_ =	strace $0x9FFFFFFF  }
0xc2: {  	(tm) =	ssettm $0x7FFFFFFF  }
0xc3: {  	_ =	shalt  }
tec
execute0_lowered:
.L_overlay_start_1:
0x0: {  	(tag) =	ssettag $0x1  }
0x1: {  	s0 =	srdreg.scid  }
0x2: {  	s7 =	sand.u32 $0x1, s0;
	s0 =	stileid.u32  }
0x3: {  	s4 =	sor.u32 s0, s7  }
0x4: {  	p0 =	sne.s32 s4, $0x0  }
.Ltmp0:
0x5: {  	_ = 	snop;
	(pc) =	sbr.rel @p0 .LBB2_4-.Ltmp0, $4  }
0x6: {  	_ = 	snop  }
0x7: {  	s3 =	rddreg [dreg:$0x0]  }
0x8: {  	s2 =	rddreg [dreg:$0x1]  }
0x9: {  	s1 =	rddreg [dreg:$0x2];
	_ =	strace $0x8000004A  }
0xa: {  	s3 =	sadd.s32 $0x1C3E00, s3;
	s5 =	simm.s32 $0x0;
	s4 =	simm.s32 $0x1;
	v43 =	vlaneseq.u32  }
0xb: {  	v1 =	vor.u32 $0x10, v43;
	[tilespmem:s5], [sflag:$0x1] =	stream.linear.gather [hbm4b:s3+s5], $0x1000, $0x38;
	[tilespmem:$0x1080] =	vst v63  }
0xc: {  	v3 =	vor.u32 $0x100, v43;
	_ =	swait.ge [sflag:s4], $0x1000  }
0xd: {  	v4 =	vor.u32 $0x110, v43;
	[sflag:s4] =	ssyncset.done $0x0  }
0xe: {  	v5 =	vor.u32 $0x200, v43;
	[sflag:s4] =	ssyncadd.s32 $0xFFFFF000  }
0xf: {  	v6 =	vor.u32 $0x210, v43;
	v0 =	vld.idx.msk [tilespmem:v43+s5+$0x0], $0xffff  }
0x10: {  	v7 =	vor.u32 $0x300, v43;
	v2 =	vld.idx.msk [tilespmem:v1+s5+$0x0], $0xffff  }
0x11: {  	v8 =	vor.u32 $0x310, v43;
	[tilespmem:$0x1F8E0] =	vst v3;
	v3 =	vld.idx.msk [tilespmem:v3+s5+$0x0], $0xffff  }
0x12: {  	v9 =	vor.u32 $0x400, v43;
	[tilespmem:$0x1F8F0] =	vst v4;
	v4 =	vld.idx.msk [tilespmem:v4+s5+$0x0], $0xffff  }
0x13: {  	v10 =	vor.u32 $0x410, v43;
	[tilespmem:$0x1F900] =	vst v5;
	v5 =	vld.idx.msk [tilespmem:v5+s5+$0x0], $0xffff  }
0x14: {  	v11 =	vor.u32 $0x500, v43;
	[tilespmem:$0x1F910] =	vst v6;
	v6 =	vld.idx.msk [tilespmem:v6+s5+$0x0], $0xffff;
	v0 =	vadd.f32 $0.0e+00, v0  }
0x15: {  	v12 =	vor.u32 $0x510, v43;
	[tilespmem:$0x1F920] =	vst v7;
	v7 =	vld.idx.msk [tilespmem:v7+s5+$0x0], $0xffff;
	v2 =	vadd.f32 $0.0e+00, v2  }
0x16: {  	v13 =	vor.u32 $0x600, v43;
	[tilespmem:$0x1F930] =	vst v8;
	v8 =	vld.idx.msk [tilespmem:v8+s5+$0x0], $0xffff;
	v0 =	vadd.f32 v3, v0  }
0x17: {  	v14 =	vor.u32 $0x610, v43;
	v3 =	vld.idx.msk [tilespmem:v9+s5+$0x0], $0xffff;
	v2 =	vadd.f32 v4, v2  }
0x18: {  	[tilespmem:$0x1F940] =	vst v9;
	v9 =	vor.u32 $0x700, v43;
	v4 =	vld.idx.msk [tilespmem:v10+s5+$0x0], $0xffff;
	v0 =	vadd.f32 v5, v0  }
0x19: {  	[tilespmem:$0x1F950] =	vst v10;
	v10 =	vor.u32 $0x710, v43;
	v5 =	vld.idx.msk [tilespmem:v11+s5+$0x0], $0xffff;
	v2 =	vadd.f32 v6, v2  }
0x1a: {  	[tilespmem:$0x1F960] =	vst v11;
	v11 =	vor.u32 $0x800, v43;
	v6 =	vld.idx.msk [tilespmem:v12+s5+$0x0], $0xffff;
	v0 =	vadd.f32 v7, v0  }
0x1b: {  	[tilespmem:$0x1F970] =	vst v12;
	v12 =	vor.u32 $0x810, v43;
	v7 =	vld.idx.msk [tilespmem:v13+s5+$0x0], $0xffff;
	v2 =	vadd.f32 v8, v2  }
0x1c: {  	[tilespmem:$0x1F980] =	vst v13;
	v13 =	vor.u32 $0x900, v43;
	v8 =	vld.idx.msk [tilespmem:v14+s5+$0x0], $0xffff;
	v0 =	vadd.f32 v3, v0  }
0x1d: {  	[tilespmem:$0x1F990] =	vst v14;
	v14 =	vor.u32 $0x910, v43;
	v3 =	vld.idx.msk [tilespmem:v9+s5+$0x0], $0xffff;
	v2 =	vadd.f32 v4, v2  }
0x1e: {  	[tilespmem:$0x1F9A0] =	vst v9;
	v9 =	vor.u32 $0xA00, v43;
	v4 =	vld.idx.msk [tilespmem:v10+s5+$0x0], $0xffff;
	v0 =	vadd.f32 v5, v0  }
0x1f: {  	[tilespmem:$0x1F9B0] =	vst v10;
	v10 =	vor.u32 $0xA10, v43;
	v5 =	vld.idx.msk [tilespmem:v11+s5+$0x0], $0xffff;
	v2 =	vadd.f32 v6, v2  }
0x20: {  	[tilespmem:$0x1F9C0] =	vst v11;
	v11 =	vor.u32 $0xB00, v43;
	v6 =	vld.idx.msk [tilespmem:v12+s5+$0x0], $0xffff;
	v0 =	vadd.f32 v7, v0  }
0x21: {  	[tilespmem:$0x1F9D0] =	vst v12;
	v12 =	vor.u32 $0xB10, v43;
	v7 =	vld.idx.msk [tilespmem:v13+s5+$0x0], $0xffff;
	v2 =	vadd.f32 v8, v2  }
0x22: {  	[tilespmem:$0x1F9E0] =	vst v13;
	v13 =	vor.u32 $0xC00, v43;
	v8 =	vld.idx.msk [tilespmem:v14+s5+$0x0], $0xffff;
	v0 =	vadd.f32 v3, v0  }
0x23: {  	[tilespmem:$0x1F9F0] =	vst v14;
	v14 =	vor.u32 $0xC10, v43;
	v3 =	vld.idx.msk [tilespmem:v9+s5+$0x0], $0xffff;
	v2 =	vadd.f32 v4, v2  }
0x24: {  	[tilespmem:$0x1FA00] =	vst v9;
	v9 =	vor.u32 $0xD00, v43;
	v4 =	vld.idx.msk [tilespmem:v10+s5+$0x0], $0xffff;
	v0 =	vadd.f32 v5, v0  }
0x25: {  	[tilespmem:$0x1FA10] =	vst v10;
	v10 =	vor.u32 $0xD10, v43;
	v5 =	vld.idx.msk [tilespmem:v11+s5+$0x0], $0xffff;
	v2 =	vadd.f32 v6, v2  }
0x26: {  	[tilespmem:$0x1FA20] =	vst v11;
	v11 =	vor.u32 $0xE00, v43;
	v6 =	vld.idx.msk [tilespmem:v12+s5+$0x0], $0xffff;
	v0 =	vadd.f32 v7, v0  }
0x27: {  	[tilespmem:$0x1FA30] =	vst v12;
	v12 =	vor.u32 $0xE10, v43;
	v7 =	vld.idx.msk [tilespmem:v13+s5+$0x0], $0xffff;
	v2 =	vadd.f32 v8, v2  }
0x28: {  	[tilespmem:$0x1FA40] =	vst v13;
	v13 =	vor.u32 $0xF00, v43;
	v8 =	vld.idx.msk [tilespmem:v14+s5+$0x0], $0xffff;
	v0 =	vadd.f32 v3, v0  }
0x29: {  	[tilespmem:$0x1FA50] =	vst v14;
	v14 =	vor.u32 $0xF10, v43;
	v3 =	vld.idx.msk [tilespmem:v9+s5+$0x0], $0xffff;
	v2 =	vadd.f32 v4, v2  }
0x2a: {  	v4 =	vld.idx.msk [tilespmem:v10+s5+$0x0], $0xffff;
	v0 =	vadd.f32 v5, v0  }
0x2b: {  	v5 =	vld.idx.msk [tilespmem:v11+s5+$0x0], $0xffff;
	v2 =	vadd.f32 v6, v2  }
0x2c: {  	v6 =	vld.idx.msk [tilespmem:v12+s5+$0x0], $0xffff;
	v0 =	vadd.f32 v7, v0  }
0x2d: {  	v7 =	vld.idx.msk [tilespmem:v13+s5+$0x0], $0xffff;
	v2 =	vadd.f32 v8, v2  }
0x2e: {  	v8 =	vld.idx.msk [tilespmem:v14+s5+$0x0], $0xffff;
	v0 =	vadd.f32 v3, v0  }
0x2f: {  	v2 =	vadd.f32 v4, v2  }
0x30: {  	[tilespmem:$0x1FA60] =	vst v9;
	v0 =	vadd.f32 v5, v0  }
0x31: {  	[tilespmem:$0x1FA70] =	vst v10;
	v3 =	vor.u32 $0x20, v43;
	v2 =	vadd.f32 v6, v2  }
0x32: {  	v33 =	vor.u32 $0x30, v43;
	[tilespmem:$0x1FA80] =	vst v11;
	v0 =	vadd.f32 v7, v0  }
0x33: {  	s6 =	simm.s32 $0x1000;
	[tilespmem:$0x1FA90] =	vst v12;
	v4 =	vor.u32 $0x120, v43;
	v2 =	vadd.f32 v8, v2  }
0x34: {  	v5 =	vor.u32 $0x130, v43;
	[tilespmem:v43+s6+$0x0] =	vst.idx.msk $0xffff, v0  }
0x35: {  	v6 =	vor.u32 $0x220, v43;
	[tilespmem:v1+s6+$0x0] =	vst.idx.msk $0xf, v2  }
0x36: {  	[tilespmem:$0x1FAA0] =	vst v13;
	v7 =	vor.u32 $0x230, v43;
	v0 =	vld.idx.msk [tilespmem:v3+s5+$0x0], $0xffff  }
0x37: {  	[tilespmem:$0x1FAB0] =	vst v14;
	v8 =	vor.u32 $0x320, v43;
	v2 =	vld.idx.msk [tilespmem:v33+s5+$0x0], $0xffff  }
0x38: {  	v9 =	vor.u32 $0x330, v43;
	[tilespmem:$0x1FAC0] =	vst v3;
	v3 =	vld.idx.msk [tilespmem:v4+s5+$0x0], $0xffff  }
0x39: {  	v10 =	vor.u32 $0x420, v43;
	[tilespmem:$0x1FAD0] =	vst v4;
	v4 =	vld.idx.msk [tilespmem:v5+s5+$0x0], $0xffff  }
0x3a: {  	v11 =	vor.u32 $0x430, v43;
	[tilespmem:$0x1FAE0] =	vst v5;
	v5 =	vld.idx.msk [tilespmem:v6+s5+$0x0], $0xffff  }
0x3b: {  	v12 =	vor.u32 $0x520, v43;
	[tilespmem:$0x1FAF0] =	vst v6;
	v6 =	vld.idx.msk [tilespmem:v7+s5+$0x0], $0xffff;
	v0 =	vadd.f32 $0.0e+00, v0  }
0x3c: {  	v13 =	vor.u32 $0x530, v43;
	[tilespmem:$0x1FB00] =	vst v7;
	v7 =	vld.idx.msk [tilespmem:v8+s5+$0x0], $0xffff;
	v2 =	vadd.f32 $0.0e+00, v2  }
0x3d: {  	v14 =	vor.u32 $0x620, v43;
	[tilespmem:$0x1FB10] =	vst v8;
	v8 =	vld.idx.msk [tilespmem:v9+s5+$0x0], $0xffff;
	v0 =	vadd.f32 v3, v0  }
0x3e: {  	[tilespmem:$0x1FB20] =	vst v9;
	v9 =	vor.u32 $0x630, v43;
	v3 =	vld.idx.msk [tilespmem:v10+s5+$0x0], $0xffff;
	v2 =	vadd.f32 v4, v2  }
0x3f: {  	[tilespmem:$0x1FB30] =	vst v10;
	v10 =	vor.u32 $0x720, v43;
	v4 =	vld.idx.msk [tilespmem:v11+s5+$0x0], $0xffff;
	v0 =	vadd.f32 v5, v0  }
0x40: {  	[tilespmem:$0x1FB40] =	vst v11;
	v11 =	vor.u32 $0x730, v43;
	v5 =	vld.idx.msk [tilespmem:v12+s5+$0x0], $0xffff;
	v2 =	vadd.f32 v6, v2  }
0x41: {  	[tilespmem:$0x1FB50] =	vst v12;
	v12 =	vor.u32 $0x820, v43;
	v6 =	vld.idx.msk [tilespmem:v13+s5+$0x0], $0xffff;
	v0 =	vadd.f32 v7, v0  }
0x42: {  	[tilespmem:$0x1FB60] =	vst v13;
	v13 =	vor.u32 $0x830, v43;
	v7 =	vld.idx.msk [tilespmem:v14+s5+$0x0], $0xffff;
	v2 =	vadd.f32 v8, v2  }
0x43: {  	[tilespmem:$0x1FB70] =	vst v14;
	v14 =	vor.u32 $0x920, v43;
	v8 =	vld.idx.msk [tilespmem:v9+s5+$0x0], $0xffff;
	v0 =	vadd.f32 v3, v0  }
0x44: {  	[tilespmem:$0x1FB80] =	vst v9;
	v9 =	vor.u32 $0x930, v43;
	v3 =	vld.idx.msk [tilespmem:v10+s5+$0x0], $0xffff;
	v2 =	vadd.f32 v4, v2  }
0x45: {  	[tilespmem:$0x1FB90] =	vst v10;
	v10 =	vor.u32 $0xA20, v43;
	v4 =	vld.idx.msk [tilespmem:v11+s5+$0x0], $0xffff;
	v0 =	vadd.f32 v5, v0  }
0x46: {  	[tilespmem:$0x1FBA0] =	vst v11;
	v11 =	vor.u32 $0xA30, v43;
	v5 =	vld.idx.msk [tilespmem:v12+s5+$0x0], $0xffff;
	v2 =	vadd.f32 v6, v2  }
0x47: {  	[tilespmem:$0x1FBB0] =	vst v12;
	v12 =	vor.u32 $0xB20, v43;
	v6 =	vld.idx.msk [tilespmem:v13+s5+$0x0], $0xffff;
	v0 =	vadd.f32 v7, v0  }
0x48: {  	[tilespmem:$0x1FBC0] =	vst v13;
	v13 =	vor.u32 $0xB30, v43;
	v7 =	vld.idx.msk [tilespmem:v14+s5+$0x0], $0xffff;
	v2 =	vadd.f32 v8, v2  }
0x49: {  	v8 =	vor.u32 $0xC20, v43;
	v0 =	vadd.f32 v3, v0;
	v3 =	vld.idx.msk [tilespmem:v9+s5+$0x0], $0xffff  }
0x4a: {  	[tilespmem:$0x1FBE0] =	vst v9;
	v2 =	vadd.f32 v4, v2;
	v9 =	vor.u32 $0xC30, v43;
	v4 =	vld.idx.msk [tilespmem:v10+s5+$0x0], $0xffff  }
0x4b: {  	[tilespmem:$0x1FBF0] =	vst v10;
	v10 =	vor.u32 $0xD20, v43;
	v0 =	vadd.f32 v5, v0;
	v5 =	vld.idx.msk [tilespmem:v11+s5+$0x0], $0xffff  }
0x4c: {  	[tilespmem:$0x1FC00] =	vst v11;
	v2 =	vadd.f32 v6, v2;
	v11 =	vor.u32 $0xD30, v43;
	v6 =	vld.idx.msk [tilespmem:v12+s5+$0x0], $0xffff  }
0x4d: {  	[tilespmem:$0x1FC10] =	vst v12;
	v12 =	vor.u32 $0xE20, v43;
	v0 =	vadd.f32 v7, v0;
	v7 =	vld.idx.msk [tilespmem:v13+s5+$0x0], $0xffff  }
0x4e: {  	[tilespmem:$0x1FC20] =	vst v13;
	v13 =	vor.u32 $0xE30, v43;
	v2 =	vadd.f32 v3, v2;
	v3 =	vld.idx.msk [tilespmem:v8+s5+$0x0], $0xffff  }
0x4f: {  	[tilespmem:$0x1FC30] =	vst v8;
	v8 =	vor.u32 $0xF20, v43;
	v0 =	vadd.f32 v4, v0;
	v4 =	vld.idx.msk [tilespmem:v9+s5+$0x0], $0xffff  }
0x50: {  	[tilespmem:$0x1FC40] =	vst v9;
	v9 =	vor.u32 $0xF30, v43;
	v2 =	vadd.f32 v5, v2;
	v5 =	vld.idx.msk [tilespmem:v10+s5+$0x0], $0xffff  }
0x51: {  	v0 =	vadd.f32 v6, v0;
	v6 =	vld.idx.msk [tilespmem:v11+s5+$0x0], $0xffff  }
0x52: {  	v2 =	vadd.f32 v7, v2;
	v7 =	vld.idx.msk [tilespmem:v12+s5+$0x0], $0xffff  }
0x53: {  	v0 =	vadd.f32 v3, v0;
	v3 =	vld.idx.msk [tilespmem:v13+s5+$0x0], $0xffff  }
0x54: {  	v2 =	vadd.f32 v4, v2;
	v4 =	vld.idx.msk [tilespmem:v8+s5+$0x0], $0xffff  }
0x55: {  	v0 =	vadd.f32 v5, v0;
	v5 =	vld.idx.msk [tilespmem:v9+s5+$0x0], $0xffff  }
0x56: {  	v2 =	vadd.f32 v6, v2  }
0x57: {  	v0 =	vadd.f32 v7, v0  }
0x58: {  	v2 =	vadd.f32 v3, v2;
	v3 =	vadd.s32 $0x14, v43  }
0x59: {  	v0 =	vadd.f32 v4, v0;
	v4 =	vadd.s32 $0x24, v43  }
0x5a: {  	v2 =	vadd.f32 v5, v2;
	v5 =	vor.u32 $0x40, v43  }
0x5b: {  	v0 =	vmul.f32 $4.999999890e-03, v0  }
0x5c: {  	v6 =	vor.u32 $0x140, v43;
	[tilespmem:$0x1FCB0] =	vst v3;
	v2 =	vmul.f32 $4.999999890e-03, v2  }
0x5d: {  	[tilespmem:v3+s6+$0x0] =	vst.idx.msk $0xffff, v0  }
0x5e: {  	v3 =	vor.u32 $0x240, v43;
	[tilespmem:v4+s6+$0x0] =	vst.idx.msk $0xf, v2  }
0x5f: {  	v0 =	vld.idx.msk [tilespmem:v5+s5+$0x0], $0xffff  }
0x60: {  	[tilespmem:$0x1FCC0] =	vst v4;
	v4 =	vor.u32 $0x340, v43  }
0x61: {  	v2 =	vld.idx.msk [tilespmem:v6+s5+$0x0], $0xffff  }
0x62: {  	[tilespmem:$0x1FCD0] =	vst v5;
	v5 =	vor.u32 $0x440, v43  }
0x63: {  	[tilespmem:$0x1FCF0] =	vst v3;
	v3 =	vld.idx.msk [tilespmem:v3+s5+$0x0], $0xffff  }
0x64: {  	[tilespmem:$0x1FCE0] =	vst v6;
	v6 =	vor.u32 $0x540, v43;
	v0 =	vadd.f32 $0.0e+00, v0  }
0x65: {  	[tilespmem:$0x1FD00] =	vst v4;
	v4 =	vld.idx.msk [tilespmem:v4+s5+$0x0], $0xffff  }
0x66: {  	v7 =	vor.u32 $0x640, v43;
	v0 =	vadd.f32 v2, v0  }
0x67: {  	v2 =	vld.idx.msk [tilespmem:v5+s5+$0x0], $0xffff  }
0x68: {  	[tilespmem:$0x1FD10] =	vst v5;
	v5 =	vor.u32 $0x740, v43;
	v0 =	vadd.f32 v3, v0  }
0x69: {  	v3 =	vld.idx.msk [tilespmem:v6+s5+$0x0], $0xffff  }
0x6a: {  	[tilespmem:$0x1FD20] =	vst v6;
	v6 =	vor.u32 $0x840, v43;
	v0 =	vadd.f32 v4, v0  }
0x6b: {  	v4 =	vld.idx.msk [tilespmem:v7+s5+$0x0], $0xffff  }
0x6c: {  	[tilespmem:$0x1FD30] =	vst v7;
	v7 =	vor.u32 $0x940, v43;
	v0 =	vadd.f32 v2, v0  }
0x6d: {  	v2 =	vld.idx.msk [tilespmem:v5+s5+$0x0], $0xffff  }
0x6e: {  	[tilespmem:$0x1FD40] =	vst v5;
	v5 =	vor.u32 $0xA40, v43;
	v0 =	vadd.f32 v3, v0  }
0x6f: {  	v3 =	vld.idx.msk [tilespmem:v6+s5+$0x0], $0xffff  }
0x70: {  	[tilespmem:$0x1FD50] =	vst v6;
	v6 =	vor.u32 $0xB40, v43;
	v0 =	vadd.f32 v4, v0  }
0x71: {  	v4 =	vld.idx.msk [tilespmem:v7+s5+$0x0], $0xffff  }
0x72: {  	[tilespmem:$0x1FD60] =	vst v7;
	v7 =	vor.u32 $0xC40, v43;
	v0 =	vadd.f32 v2, v0  }
0x73: {  	v2 =	vld.idx.msk [tilespmem:v5+s5+$0x0], $0xffff  }
0x74: {  	[tilespmem:$0x1FD70] =	vst v5;
	v5 =	vor.u32 $0xD40, v43;
	v0 =	vadd.f32 v3, v0  }
0x75: {  	v3 =	vld.idx.msk [tilespmem:v6+s5+$0x0], $0xffff  }
0x76: {  	[tilespmem:$0x1FD80] =	vst v6;
	v6 =	vor.u32 $0xE40, v43;
	v0 =	vadd.f32 v4, v0  }
0x77: {  	v4 =	vld.idx.msk [tilespmem:v7+s5+$0x0], $0xffff  }
0x78: {  	[tilespmem:$0x1FD90] =	vst v7;
	v7 =	vor.u32 $0xF40, v43;
	v0 =	vadd.f32 v2, v0  }
0x79: {  	v2 =	vld.idx.msk [tilespmem:v5+s5+$0x0], $0xffff  }
0x7a: {  	v0 =	vadd.f32 v3, v0  }
0x7b: {  	v3 =	vld.idx.msk [tilespmem:v6+s5+$0x0], $0xffff  }
0x7c: {  	v0 =	vadd.f32 v4, v0  }
0x7d: {  	v4 =	vld.idx.msk [tilespmem:v7+s5+$0x0], $0xffff  }
0x7e: {  	v0 =	vadd.f32 v2, v0  }
0x7f: {  	v2 =	vadd.s32 $0x28, v43  }
0x80: {  	v0 =	vadd.f32 v3, v0;
	v3 =	vor.u32 $0x60, v43;
	_ =	sdelay $0x1  }
0x81: {  	v0 =	vadd.f32 v4, v0;
	v4 =	vor.u32 $0x160, v43  }
0x82: {  	[tilespmem:$0x1FDA0] =	vst v5  }
0x83: {  	v5 =	vor.u32 $0x260, v43;
	[tilespmem:v2+s6+$0x0] =	vst.idx.msk $0xff, v0  }
0x84: {  	v0 =	vld.idx.msk [tilespmem:v3+s5+$0x0], $0xffff  }
0x85: {  	[tilespmem:$0x1FDB0] =	vst v6;
	v6 =	vor.u32 $0x360, v43  }
0x86: {  	[tilespmem:$0x1FDD0] =	vst v2;
	v2 =	vld.idx.msk [tilespmem:v4+s5+$0x0], $0xffff  }
0x87: {  	[tilespmem:$0x1FDC0] =	vst v7;
	v7 =	vor.u32 $0x460, v43  }
0x88: {  	[tilespmem:$0x1FDE0] =	vst v3;
	v3 =	vld.idx.msk [tilespmem:v5+s5+$0x0], $0xffff  }
0x89: {  	[tilespmem:$0x1FE00] =	vst v5;
	v5 =	vor.u32 $0x560, v43;
	v0 =	vadd.f32 $0.0e+00, v0  }
0x8a: {  	[tilespmem:$0x1FDF0] =	vst v4;
	v4 =	vld.idx.msk [tilespmem:v6+s5+$0x0], $0xffff  }
0x8b: {  	[tilespmem:$0x1FE10] =	vst v6;
	v6 =	vor.u32 $0x660, v43;
	v0 =	vadd.f32 v2, v0  }
0x8c: {  	v2 =	vld.idx.msk [tilespmem:v7+s5+$0x0], $0xffff  }
0x8d: {  	[tilespmem:$0x1FE20] =	vst v7;
	v7 =	vor.u32 $0x760, v43;
	v0 =	vadd.f32 v3, v0  }
0x8e: {  	v3 =	vld.idx.msk [tilespmem:v5+s5+$0x0], $0xffff  }
0x8f: {  	[tilespmem:$0x1FE30] =	vst v5;
	v5 =	vor.u32 $0x860, v43;
	v0 =	vadd.f32 v4, v0  }
0x90: {  	v4 =	vld.idx.msk [tilespmem:v6+s5+$0x0], $0xffff  }
0x91: {  	[tilespmem:$0x1FE40] =	vst v6;
	v6 =	vor.u32 $0x960, v43;
	v0 =	vadd.f32 v2, v0  }
0x92: {  	v2 =	vld.idx.msk [tilespmem:v7+s5+$0x0], $0xffff  }
0x93: {  	[tilespmem:$0x1FE50] =	vst v7;
	v7 =	vor.u32 $0xA60, v43;
	v0 =	vadd.f32 v3, v0  }
0x94: {  	v3 =	vld.idx.msk [tilespmem:v5+s5+$0x0], $0xffff  }
0x95: {  	[tilespmem:$0x1FE60] =	vst v5;
	v5 =	vor.u32 $0xB60, v43;
	v0 =	vadd.f32 v4, v0  }
0x96: {  	v4 =	vld.idx.msk [tilespmem:v6+s5+$0x0], $0xffff  }
0x97: {  	[tilespmem:$0x1FE70] =	vst v6;
	v6 =	vor.u32 $0xC60, v43;
	v0 =	vadd.f32 v2, v0  }
0x98: {  	v2 =	vld.idx.msk [tilespmem:v7+s5+$0x0], $0xffff  }
0x99: {  	[tilespmem:$0x1FE80] =	vst v7;
	v7 =	vor.u32 $0xD60, v43;
	v0 =	vadd.f32 v3, v0  }
0x9a: {  	v3 =	vld.idx.msk [tilespmem:v5+s5+$0x0], $0xffff  }
0x9b: {  	[tilespmem:$0x1FE90] =	vst v5;
	v5 =	vor.u32 $0xE60, v43;
	v0 =	vadd.f32 v4, v0  }
0x9c: {  	v4 =	vld.idx.msk [tilespmem:v6+s5+$0x0], $0xffff  }
0x9d: {  	[tilespmem:$0x1FEA0] =	vst v6;
	v6 =	vor.u32 $0xF60, v43;
	v0 =	vadd.f32 v2, v0  }
0x9e: {  	v2 =	vld.idx.msk [tilespmem:v7+s5+$0x0], $0xffff  }
0x9f: {  	v0 =	vadd.f32 v3, v0  }
0xa0: {  	v3 =	vld.idx.msk [tilespmem:v5+s5+$0x0], $0xffff  }
0xa1: {  	v0 =	vadd.f32 v4, v0  }
0xa2: {  	v4 =	vld.idx.msk [tilespmem:v6+s5+$0x0], $0xffff  }
0xa3: {  	v0 =	vadd.f32 v2, v0;
	_ =	sdelay $0x1  }
0xa4: {  	v0 =	vadd.f32 v3, v0;
	_ =	sdelay $0x1  }
0xa5: {  	v2 =	vor.u32 $0x80, v43;
	v0 =	vadd.f32 v4, v0;
	_ =	sdelay $0x1  }
0xa6: {  	v3 =	vor.u32 $0x180, v43;
	v0 =	vmul.f32 $1.999999960e-02, v0;
	_ =	sdelay $0x1  }
0xa7: {  	v4 =	vor.u32 $0x280, v43;
	[tilespmem:v33+s6+$0x0] =	vst.idx.msk $0x3ff, v0  }
0xa8: {  	v0 =	vld.idx.msk [tilespmem:v2+s5+$0x0], $0xffff  }
0xa9: {  	[tilespmem:$0x1FEC0] =	vst v5;
	v5 =	vor.u32 $0x380, v43  }
0xaa: {  	[tilespmem:$0x1FEE0] =	vst v2;
	v2 =	vld.idx.msk [tilespmem:v3+s5+$0x0], $0xffff  }
0xab: {  	[tilespmem:$0x1FED0] =	vst v6;
	v6 =	vor.u32 $0x480, v43  }
0xac: {  	[tilespmem:$0x1FEF0] =	vst v3;
	v3 =	vld.idx.msk [tilespmem:v4+s5+$0x0], $0xffff  }
0xad: {  	[tilespmem:$0x1FEB0] =	vst v7;
	v7 =	vor.u32 $0x580, v43;
	v0 =	vadd.f32 $0.0e+00, v0  }
0xae: {  	[tilespmem:$0x1FF00] =	vst v4;
	v4 =	vld.idx.msk [tilespmem:v5+s5+$0x0], $0xffff  }
0xaf: {  	[tilespmem:$0x1FF10] =	vst v5;
	v5 =	vor.u32 $0x680, v43;
	v0 =	vadd.f32 v2, v0  }
0xb0: {  	v2 =	vld.idx.msk [tilespmem:v6+s5+$0x0], $0xffff  }
0xb1: {  	[tilespmem:$0x1FF20] =	vst v6;
	v6 =	vor.u32 $0x780, v43;
	v0 =	vadd.f32 v3, v0  }
0xb2: {  	v3 =	vld.idx.msk [tilespmem:v7+s5+$0x0], $0xffff  }
0xb3: {  	[tilespmem:$0x1FF30] =	vst v7;
	v7 =	vor.u32 $0x880, v43;
	v0 =	vadd.f32 v4, v0  }
0xb4: {  	v4 =	vld.idx.msk [tilespmem:v5+s5+$0x0], $0xffff  }
0xb5: {  	[tilespmem:$0x1FF40] =	vst v5;
	v5 =	vor.u32 $0x980, v43;
	v0 =	vadd.f32 v2, v0  }
0xb6: {  	v2 =	vld.idx.msk [tilespmem:v6+s5+$0x0], $0xffff  }
0xb7: {  	[tilespmem:$0x1FF50] =	vst v6;
	v6 =	vor.u32 $0xA80, v43;
	v0 =	vadd.f32 v3, v0  }
0xb8: {  	v3 =	vld.idx.msk [tilespmem:v7+s5+$0x0], $0xffff  }
0xb9: {  	[tilespmem:$0x1FF60] =	vst v7;
	v7 =	vor.u32 $0xB80, v43;
	v0 =	vadd.f32 v4, v0  }
0xba: {  	v4 =	vld.idx.msk [tilespmem:v5+s5+$0x0], $0xffff  }
0xbb: {  	[tilespmem:$0x1FF70] =	vst v5;
	v5 =	vor.u32 $0xC80, v43;
	v0 =	vadd.f32 v2, v0  }
0xbc: {  	v2 =	vld.idx.msk [tilespmem:v6+s5+$0x0], $0xffff  }
0xbd: {  	[tilespmem:$0x1FF80] =	vst v6;
	v6 =	vor.u32 $0xD80, v43;
	v0 =	vadd.f32 v3, v0  }
0xbe: {  	v3 =	vld.idx.msk [tilespmem:v7+s5+$0x0], $0xffff  }
0xbf: {  	[tilespmem:$0x1FF90] =	vst v7;
	v7 =	vor.u32 $0xE80, v43;
	v0 =	vadd.f32 v4, v0  }
0xc0: {  	v4 =	vld.idx.msk [tilespmem:v5+s5+$0x0], $0xffff  }
0xc1: {  	[tilespmem:$0x1FFA0] =	vst v5;
	v5 =	vor.u32 $0xF80, v43;
	v0 =	vadd.f32 v2, v0  }
0xc2: {  	v2 =	vld.idx.msk [tilespmem:v6+s5+$0x0], $0xffff  }
0xc3: {  	v0 =	vadd.f32 v3, v0  }
0xc4: {  	v3 =	vld.idx.msk [tilespmem:v7+s5+$0x0], $0xffff  }
0xc5: {  	v0 =	vadd.f32 v4, v0  }
0xc6: {  	v4 =	vld.idx.msk [tilespmem:v5+s5+$0x0], $0xffff  }
0xc7: {  	v0 =	vadd.f32 v2, v0;
	_ =	sdelay $0x1  }
0xc8: {  	v0 =	vadd.f32 v3, v0  }
0xc9: {  	v2 =	vadd.s32 $0x3A, v43  }
0xca: {  	v3 =	vor.u32 $0xA0, v43;
	v0 =	vadd.f32 v4, v0;
	_ =	sdelay $0x1  }
0xcb: {  	v4 =	vor.u32 $0x1A0, v43;
	v0 =	vmul.f32 $2.000000030e-01, v0  }
0xcc: {  	[tilespmem:$0x1FFD0] =	vst v5  }
0xcd: {  	v5 =	vor.u32 $0x2A0, v43;
	[tilespmem:v2+s6+$0x0] =	vst.idx.msk $0x7fff, v0  }
0xce: {  	v0 =	vld.idx.msk [tilespmem:v3+s5+$0x0], $0xffff  }
0xcf: {  	[tilespmem:$0x1FFB0] =	vst v6;
	v6 =	vor.u32 $0x3A0, v43  }
0xd0: {  	[tilespmem:$0x1FFE0] =	vst v2;
	v2 =	vld.idx.msk [tilespmem:v4+s5+$0x0], $0xffff  }
0xd1: {  	[tilespmem:$0x1FFC0] =	vst v7;
	v7 =	vor.u32 $0x4A0, v43  }
0xd2: {  	[tilespmem:$0x1FFF0] =	vst v3;
	v3 =	vld.idx.msk [tilespmem:v5+s5+$0x0], $0xffff  }
0xd3: {  	v58 =	vmov v5;
	v5 =	vor.u32 $0x5A0, v43;
	v0 =	vadd.f32 $0.0e+00, v0  }
0xd4: {  	v57 =	vmov v4;
	v4 =	vld.idx.msk [tilespmem:v6+s5+$0x0], $0xffff  }
0xd5: {  	v60 =	vor.u32 $0x6A0, v43;
	v0 =	vadd.f32 v2, v0  }
0xd6: {  	v2 =	vld.idx.msk [tilespmem:v7+s5+$0x0], $0xffff  }
0xd7: {  	v61 =	vor.u32 $0x7A0, v43;
	v0 =	vadd.f32 v3, v0  }
0xd8: {  	v3 =	vld.idx.msk [tilespmem:v5+s5+$0x0], $0xffff  }
0xd9: {  	v62 =	vor.u32 $0x8A0, v43;
	v0 =	vadd.f32 v4, v0  }
0xda: {  	v4 =	vld.idx.msk [tilespmem:v60+s5+$0x0], $0xffff  }
0xdb: {  	v63 =	vor.u32 $0x9A0, v43;
	v0 =	vadd.f32 v2, v0  }
0xdc: {  	v56 =	vmov v5;
	v5 =	vld.idx.msk [tilespmem:v61+s5+$0x0], $0xffff  }
0xdd: {  	v2 =	vor.u32 $0xAA0, v43;
	v0 =	vadd.f32 v3, v0  }
0xde: {  	v55 =	vmov v6;
	v6 =	vld.idx.msk [tilespmem:v62+s5+$0x0], $0xffff  }
0xdf: {  	v3 =	vor.u32 $0xBA0, v43;
	v0 =	vadd.f32 v4, v0  }
0xe0: {  	v59 =	vmov v7;
	v7 =	vld.idx.msk [tilespmem:v63+s5+$0x0], $0xffff  }
0xe1: {  	v4 =	vor.u32 $0xCA0, v43;
	v0 =	vadd.f32 v5, v0  }
0xe2: {  	[tilespmem:$0x1FC90] =	vst v8;
	v8 =	vld.idx.msk [tilespmem:v2+s5+$0x0], $0xffff  }
0xe3: {  	v5 =	vor.u32 $0xDA0, v43;
	v0 =	vadd.f32 v6, v0  }
0xe4: {  	[tilespmem:$0x1FCA0] =	vst v9;
	v9 =	vld.idx.msk [tilespmem:v3+s5+$0x0], $0xffff  }
0xe5: {  	v6 =	vor.u32 $0xEA0, v43;
	v0 =	vadd.f32 v7, v0  }
0xe6: {  	[tilespmem:$0x1FC50] =	vst v10;
	v10 =	vld.idx.msk [tilespmem:v4+s5+$0x0], $0xffff  }
0xe7: {  	v7 =	vor.u32 $0xFA0, v43;
	v0 =	vadd.f32 v8, v0  }
0xe8: {  	v8 =	vld.idx.msk [tilespmem:v5+s5+$0x0], $0xffff  }
0xe9: {  	v0 =	vadd.f32 v9, v0  }
0xea: {  	v9 =	vld.idx.msk [tilespmem:v6+s5+$0x0], $0xffff  }
0xeb: {  	v0 =	vadd.f32 v10, v0  }
0xec: {  	v10 =	vld.idx.msk [tilespmem:v7+s5+$0x0], $0xffff  }
0xed: {  	v0 =	vadd.f32 v8, v0;
	_ =	sdelay $0x1  }
0xee: {  	v0 =	vadd.f32 v9, v0  }
0xef: {  	v8 =	vadd.s32 $0x49, v43  }
0xf0: {  	v9 =	vor.u32 $0xC0, v43;
	v0 =	vadd.f32 v10, v0;
	_ =	sdelay $0x1  }
0xf1: {  	v10 =	vor.u32 $0x1C0, v43;
	v0 =	vmul.f32 $2.000000030e-01, v0  }
0xf2: {  	[tilespmem:$0x1FC60] =	vst v11  }
0xf3: {  	v11 =	vor.u32 $0x2C0, v43;
	[tilespmem:v8+s6+$0x0] =	vst.idx.msk $0x3ff, v0  }
0xf4: {  	v0 =	vld.idx.msk [tilespmem:v9+s5+$0x0], $0xffff  }
0xf5: {  	[tilespmem:$0x1FC70] =	vst v12;
	v12 =	vor.u32 $0x3C0, v43  }
0xf6: {  	v15 =	vld.idx.msk [tilespmem:v10+s5+$0x0], $0xffff  }
0xf7: {  	[tilespmem:$0x1FC80] =	vst v13;
	v13 =	vor.u32 $0x4C0, v43  }
0xf8: {  	v16 =	vld.idx.msk [tilespmem:v11+s5+$0x0], $0xffff  }
0xf9: {  	[tilespmem:$0x1FBD0] =	vst v14;
	v14 =	vor.u32 $0x5C0, v43;
	v0 =	vadd.f32 $0.0e+00, v0  }
0xfa: {  	v17 =	vld.idx.msk [tilespmem:v12+s5+$0x0], $0xffff  }
0xfb: {  	v0 =	vadd.f32 v15, v0;
	v15 =	vor.u32 $0x6C0, v43  }
0xfc: {  	v18 =	vld.idx.msk [tilespmem:v13+s5+$0x0], $0xffff  }
0xfd: {  	v0 =	vadd.f32 v16, v0;
	v16 =	vor.u32 $0x7C0, v43  }
0xfe: {  	v19 =	vld.idx.msk [tilespmem:v14+s5+$0x0], $0xffff  }
0xff: {  	v0 =	vadd.f32 v17, v0;
	v17 =	vor.u32 $0x8C0, v43  }
0x100: {  	v20 =	vld.idx.msk [tilespmem:v15+s5+$0x0], $0xffff  }
0x101: {  	v0 =	vadd.f32 v18, v0;
	v18 =	vor.u32 $0x9C0, v43  }
0x102: {  	v21 =	vld.idx.msk [tilespmem:v16+s5+$0x0], $0xffff  }
0x103: {  	v0 =	vadd.f32 v19, v0;
	v19 =	vor.u32 $0xAC0, v43  }
0x104: {  	v22 =	vld.idx.msk [tilespmem:v17+s5+$0x0], $0xffff  }
0x105: {  	v0 =	vadd.f32 v20, v0;
	v20 =	vor.u32 $0xBC0, v43  }
0x106: {  	v23 =	vld.idx.msk [tilespmem:v18+s5+$0x0], $0xffff  }
0x107: {  	v0 =	vadd.f32 v21, v0;
	v21 =	vor.u32 $0xCC0, v43  }
0x108: {  	v24 =	vld.idx.msk [tilespmem:v19+s5+$0x0], $0xffff  }
0x109: {  	v0 =	vadd.f32 v22, v0;
	v22 =	vor.u32 $0xDC0, v43  }
0x10a: {  	v25 =	vld.idx.msk [tilespmem:v20+s5+$0x0], $0xffff  }
0x10b: {  	v0 =	vadd.f32 v23, v0;
	v23 =	vor.u32 $0xEC0, v43  }
0x10c: {  	v26 =	vld.idx.msk [tilespmem:v21+s5+$0x0], $0xffff  }
0x10d: {  	v0 =	vadd.f32 v24, v0;
	v24 =	vor.u32 $0xFC0, v43  }
0x10e: {  	v27 =	vld.idx.msk [tilespmem:v22+s5+$0x0], $0xffff  }
0x10f: {  	v0 =	vadd.f32 v25, v0  }
0x110: {  	v25 =	vld.idx.msk [tilespmem:v23+s5+$0x0], $0xffff  }
0x111: {  	v0 =	vadd.f32 v26, v0  }
0x112: {  	v26 =	vld.idx.msk [tilespmem:v24+s5+$0x0], $0xffff  }
0x113: {  	v0 =	vadd.f32 v27, v0;
	_ =	sdelay $0x1  }
0x114: {  	v0 =	vadd.f32 v25, v0  }
0x115: {  	v25 =	vadd.s32 $0x53, v43  }
0x116: {  	v0 =	vadd.f32 v26, v0;
	v26 =	vor.u32 $0xE0, v43;
	_ =	sdelay $0x1  }
0x117: {  	v27 =	vor.u32 $0x1E0, v43;
	v0 =	vmul.f32 $3.333333430e-01, v0;
	_ =	sdelay $0x1  }
0x118: {  	v28 =	vor.u32 $0x2E0, v43;
	[tilespmem:v25+s6+$0x0] =	vst.idx.msk $0x3ff, v0  }
0x119: {  	v0 =	vld.idx.msk [tilespmem:v26+s5+$0x0], $0xffff  }
0x11a: {  	v29 =	vor.u32 $0x3E0, v43  }
0x11b: {  	v32 =	vld.idx.msk [tilespmem:v27+s5+$0x0], $0xffff  }
0x11c: {  	v30 =	vor.u32 $0x4E0, v43  }
0x11d: {  	v34 =	vld.idx.msk [tilespmem:v28+s5+$0x0], $0xffff  }
0x11e: {  	v31 =	vor.u32 $0x5E0, v43;
	v0 =	vadd.f32 $0.0e+00, v0  }
0x11f: {  	v35 =	vld.idx.msk [tilespmem:v29+s5+$0x0], $0xffff  }
0x120: {  	v32 =	vadd.f32 v32, v0;
	v0 =	vor.u32 $0x6E0, v43  }
0x121: {  	v36 =	vld.idx.msk [tilespmem:v30+s5+$0x0], $0xffff  }
0x122: {  	v34 =	vadd.f32 v34, v32;
	v32 =	vor.u32 $0x7E0, v43  }
0x123: {  	v37 =	vld.idx.msk [tilespmem:v31+s5+$0x0], $0xffff  }
0x124: {  	v35 =	vadd.f32 v35, v34;
	v34 =	vor.u32 $0x8E0, v43  }
0x125: {  	v38 =	vld.idx.msk [tilespmem:v0+s5+$0x0], $0xffff  }
0x126: {  	v36 =	vadd.f32 v36, v35;
	v35 =	vor.u32 $0x9E0, v43  }
0x127: {  	v39 =	vld.idx.msk [tilespmem:v32+s5+$0x0], $0xffff  }
0x128: {  	v37 =	vadd.f32 v37, v36;
	v36 =	vor.u32 $0xAE0, v43  }
0x129: {  	v40 =	vld.idx.msk [tilespmem:v34+s5+$0x0], $0xffff  }
0x12a: {  	v38 =	vadd.f32 v38, v37;
	v37 =	vor.u32 $0xBE0, v43  }
0x12b: {  	v41 =	vld.idx.msk [tilespmem:v35+s5+$0x0], $0xffff  }
0x12c: {  	v39 =	vadd.f32 v39, v38;
	v38 =	vor.u32 $0xCE0, v43  }
0x12d: {  	v42 =	vld.idx.msk [tilespmem:v36+s5+$0x0], $0xffff  }
0x12e: {  	v40 =	vadd.f32 v40, v39;
	v39 =	vor.u32 $0xDE0, v43  }
0x12f: {  	v44 =	vld.idx.msk [tilespmem:v37+s5+$0x0], $0xffff  }
0x130: {  	v41 =	vadd.f32 v41, v40;
	v40 =	vor.u32 $0xEE0, v43  }
0x131: {  	v45 =	vld.idx.msk [tilespmem:v38+s5+$0x0], $0xffff  }
0x132: {  	v42 =	vadd.f32 v42, v41;
	v41 =	vor.u32 $0xFE0, v43  }
0x133: {  	v46 =	vld.idx.msk [tilespmem:v39+s5+$0x0], $0xffff  }
0x134: {  	v42 =	vadd.f32 v44, v42  }
0x135: {  	v52 =	vld.idx.msk [tilespmem:v40+s5+$0x0], $0xffff  }
0x136: {  	v42 =	vadd.f32 v45, v42  }
0x137: {  	v53 =	vld.idx.msk [tilespmem:v41+s5+$0x0], $0xffff  }
0x138: {  	v46 =	vadd.f32 v46, v42  }
0x139: {  	s7 =	ssub.s32 $0x2, s7;
	v42 =	vadd.s32 $0x5D, v43  }
0x13a: {  	s8 =	sshrl.u32 s7, $0x1;
	v54 =	vadd.f32 v52, v46  }
0x13b: {  	s7 =	ssub.s32 s7, s8  }
0x13c: {  	p0 =	sne.s32 s7, $0x1;
	v43 =	vadd.f32 v53, v54  }
.Ltmp1:
0x13d: {  	_ = 	snop;
	(pc) =	sbr.rel @!p0 .LBB2_3-.Ltmp1, $4  }
0x13e: {  	[tilespmem:v42+s6+$0x0] =	vst.idx.msk $0xffff, v43  }
0x13f: {  	[hbm4b:s2+s5] =	stream.linear.scatter [tilespmem:s6], [sflag:$0x1], $0x80, $0x38;
	[tilespmem:$0x1080] =	vst v63  }
0x140: {  	_ =	swait.ge [sflag:s4], $0x80  }
0x141: {  	s7 =	sadd.s32 $0xFFFFFFFF, s7;
	[sflag:s4] =	ssyncset.done $0x0  }
.LBB2_2:
0x142: {  	[sflag:s4] =	ssyncadd.s32 $0xFFFFFF80  }
0x143: {  	[tilespmem:s5], [sflag:$0x1] =	stream.linear.gather [hbm4b:s3+s5], $0x1000, $0x38;
	[tilespmem:$0x1080] =	vst v63  }
0x144: {  	_ =	swait.ge [sflag:s4], $0x1000  }
0x145: {  	v45 =	vld [tilespmem:$0x1F8E0]  }
0x146: {  	v46 =	vld [tilespmem:$0x1F8F0]  }
0x147: {  	v51 =	vlaneseq.u32;
	v47 =	vld [tilespmem:$0x1F900]  }
0x148: {  	v48 =	vld [tilespmem:$0x1F910]  }
0x149: {  	v49 =	vld [tilespmem:$0x1F920]  }
0x14a: {  	[sflag:s4] =	ssyncset.done $0x0;
	v52 =	vld [tilespmem:$0x1F940]  }
0x14b: {  	v53 =	vld [tilespmem:$0x1F950];
	[sflag:s4] =	ssyncadd.s32 $0xFFFFF000  }
0x14c: {  	v43 =	vld.idx.msk [tilespmem:v51+s5+$0x0], $0xffff  }
0x14d: {  	v44 =	vld.idx.msk [tilespmem:v1+s5+$0x0], $0xffff  }
0x14e: {  	v45 =	vld.idx.msk [tilespmem:v45+s5+$0x0], $0xffff  }
0x14f: {  	v46 =	vld.idx.msk [tilespmem:v46+s5+$0x0], $0xffff  }
0x150: {  	v50 =	vld [tilespmem:$0x1F930]  }
0x151: {  	v54 =	vld [tilespmem:$0x1F960];
	v43 =	vadd.f32 $0.0e+00, v43  }
0x152: {  	v44 =	vadd.f32 $0.0e+00, v44;
	v47 =	vld.idx.msk [tilespmem:v47+s5+$0x0], $0xffff  }
0x153: {  	v43 =	vadd.f32 v45, v43;
	v45 =	vld.idx.msk [tilespmem:v52+s5+$0x0], $0xffff  }
0x154: {  	v44 =	vadd.f32 v46, v44;
	v46 =	vld.idx.msk [tilespmem:v53+s5+$0x0], $0xffff  }
0x155: {  	v52 =	vld [tilespmem:$0x1F970]  }
0x156: {  	v53 =	vld [tilespmem:$0x1F980];
	_ =	sdelay $0x1  }
0x157: {  	v48 =	vld.idx.msk [tilespmem:v48+s5+$0x0], $0xffff  }
0x158: {  	v49 =	vld.idx.msk [tilespmem:v49+s5+$0x0], $0xffff  }
0x159: {  	v50 =	vld.idx.msk [tilespmem:v50+s5+$0x0], $0xffff  }
0x15a: {  	v43 =	vadd.f32 v47, v43;
	v47 =	vld.idx.msk [tilespmem:v54+s5+$0x0], $0xffff  }
0x15b: {  	v54 =	vld [tilespmem:$0x1F990]  }
0x15c: {  	v44 =	vadd.f32 v48, v44;
	v48 =	vld.idx.msk [tilespmem:v52+s5+$0x0], $0xffff  }
0x15d: {  	v43 =	vadd.f32 v49, v43;
	v49 =	vld.idx.msk [tilespmem:v53+s5+$0x0], $0xffff  }
0x15e: {  	v52 =	vld [tilespmem:$0x1F9A0]  }
0x15f: {  	v53 =	vld [tilespmem:$0x1F9B0];
	_ =	sdelay $0x4  }
0x160: {  	v44 =	vadd.f32 v50, v44;
	v50 =	vld.idx.msk [tilespmem:v54+s5+$0x0], $0xffff  }
0x161: {  	v54 =	vld [tilespmem:$0x1F9C0]  }
0x162: {  	v43 =	vadd.f32 v45, v43;
	v45 =	vld.idx.msk [tilespmem:v52+s5+$0x0], $0xffff  }
0x163: {  	v44 =	vadd.f32 v46, v44;
	v46 =	vld.idx.msk [tilespmem:v53+s5+$0x0], $0xffff  }
0x164: {  	v52 =	vld [tilespmem:$0x1F9D0]  }
0x165: {  	v53 =	vld [tilespmem:$0x1F9E0];
	_ =	sdelay $0x4  }
0x166: {  	v43 =	vadd.f32 v47, v43;
	v47 =	vld.idx.msk [tilespmem:v54+s5+$0x0], $0xffff  }
0x167: {  	v54 =	vld [tilespmem:$0x1F9F0]  }
0x168: {  	v44 =	vadd.f32 v48, v44;
	v48 =	vld.idx.msk [tilespmem:v52+s5+$0x0], $0xffff  }
0x169: {  	v43 =	vadd.f32 v49, v43;
	v49 =	vld.idx.msk [tilespmem:v53+s5+$0x0], $0xffff  }
0x16a: {  	v52 =	vld [tilespmem:$0x1FA00]  }
0x16b: {  	v53 =	vld [tilespmem:$0x1FA10];
	_ =	sdelay $0x3  }
0x16c: {  	v44 =	vadd.f32 v50, v44;
	v50 =	vld.idx.msk [tilespmem:v54+s5+$0x0], $0xffff  }
0x16d: {  	v54 =	vld [tilespmem:$0x1FA20];
	_ =	sdelay $0x1  }
0x16e: {  	v43 =	vadd.f32 v45, v43;
	v45 =	vld.idx.msk [tilespmem:v52+s5+$0x0], $0xffff  }
0x16f: {  	v44 =	vadd.f32 v46, v44;
	v46 =	vld.idx.msk [tilespmem:v53+s5+$0x0], $0xffff  }
0x170: {  	v52 =	vld [tilespmem:$0x1FA30]  }
0x171: {  	v53 =	vld [tilespmem:$0x1FA40];
	_ =	sdelay $0x2  }
0x172: {  	v43 =	vadd.f32 v47, v43;
	v47 =	vld.idx.msk [tilespmem:v54+s5+$0x0], $0xffff  }
0x173: {  	v54 =	vld [tilespmem:$0x1FA50];
	_ =	sdelay $0x2  }
0x174: {  	v44 =	vadd.f32 v48, v44;
	v48 =	vld.idx.msk [tilespmem:v52+s5+$0x0], $0xffff  }
0x175: {  	v43 =	vadd.f32 v49, v43;
	v49 =	vld.idx.msk [tilespmem:v53+s5+$0x0], $0xffff  }
0x176: {  	v52 =	vld [tilespmem:$0x1FA60]  }
0x177: {  	v53 =	vld [tilespmem:$0x1FA70];
	_ =	sdelay $0x1  }
0x178: {  	v44 =	vadd.f32 v50, v44;
	v50 =	vld.idx.msk [tilespmem:v54+s5+$0x0], $0xffff  }
0x179: {  	v54 =	vld [tilespmem:$0x1FA80];
	_ =	sdelay $0x3  }
0x17a: {  	v43 =	vadd.f32 v45, v43;
	v45 =	vld.idx.msk [tilespmem:v52+s5+$0x0], $0xffff  }
0x17b: {  	v44 =	vadd.f32 v46, v44;
	v46 =	vld.idx.msk [tilespmem:v53+s5+$0x0], $0xffff  }
0x17c: {  	v52 =	vld [tilespmem:$0x1FA90]  }
0x17d: {  	v53 =	vld [tilespmem:$0x1FAA0]  }
0x17e: {  	v43 =	vadd.f32 v47, v43;
	v47 =	vld.idx.msk [tilespmem:v54+s5+$0x0], $0xffff  }
0x17f: {  	v54 =	vld [tilespmem:$0x1FAB0];
	_ =	sdelay $0x4  }
0x180: {  	v44 =	vadd.f32 v48, v44  }
0x181: {  	v43 =	vadd.f32 v49, v43;
	v48 =	vld.idx.msk [tilespmem:v52+s5+$0x0], $0xffff  }
0x182: {  	v44 =	vadd.f32 v50, v44;
	v49 =	vld.idx.msk [tilespmem:v53+s5+$0x0], $0xffff  }
0x183: {  	v43 =	vadd.f32 v45, v43;
	v50 =	vld.idx.msk [tilespmem:v54+s5+$0x0], $0xffff  }
0x184: {  	v44 =	vadd.f32 v46, v44;
	v52 =	vld [tilespmem:$0x1FAF0]  }
0x185: {  	v43 =	vadd.f32 v47, v43;
	v53 =	vld [tilespmem:$0x1FB00]  }
0x186: {  	v44 =	vadd.f32 v48, v44  }
0x187: {  	v54 =	vld [tilespmem:$0x1FB10];
	v43 =	vadd.f32 v49, v43  }
0x188: {  	v49 =	vld [tilespmem:$0x1FAC0];
	v44 =	vadd.f32 v50, v44  }
0x189: {  	[tilespmem:v51+s6+$0x0] =	vst.idx.msk $0xffff, v43;
	v50 =	vld [tilespmem:$0x1FAD0]  }
0x18a: {  	v51 =	vld [tilespmem:$0x1FAE0];
	[tilespmem:v1+s6+$0x0] =	vst.idx.msk $0xf, v44  }
0x18b: {  	v44 =	vld.idx.msk [tilespmem:v33+s5+$0x0], $0xffff  }
0x18c: {  	v47 =	vld.idx.msk [tilespmem:v52+s5+$0x0], $0xffff  }
0x18d: {  	v48 =	vld.idx.msk [tilespmem:v53+s5+$0x0], $0xffff  }
0x18e: {  	v52 =	vld [tilespmem:$0x1FB20]  }
0x18f: {  	v53 =	vld [tilespmem:$0x1FB30]  }
0x190: {  	v43 =	vld.idx.msk [tilespmem:v49+s5+$0x0], $0xffff  }
0x191: {  	v49 =	vld.idx.msk [tilespmem:v54+s5+$0x0], $0xffff  }
0x192: {  	v54 =	vld [tilespmem:$0x1FB40]  }
0x193: {  	v45 =	vld.idx.msk [tilespmem:v50+s5+$0x0], $0xffff;
	_ =	sdelay $0x1  }
0x194: {  	v46 =	vld.idx.msk [tilespmem:v51+s5+$0x0], $0xffff  }
0x195: {  	v43 =	vadd.f32 $0.0e+00, v43;
	v50 =	vld.idx.msk [tilespmem:v52+s5+$0x0], $0xffff  }
0x196: {  	v52 =	vld [tilespmem:$0x1FB60]  }
0x197: {  	v44 =	vadd.f32 $0.0e+00, v44;
	v43 =	vadd.f32 v45, v43;
	v45 =	vld.idx.msk [tilespmem:v53+s5+$0x0], $0xffff  }
0x198: {  	v53 =	vld [tilespmem:$0x1FB70]  }
0x199: {  	v44 =	vadd.f32 v46, v44;
	v46 =	vld.idx.msk [tilespmem:v54+s5+$0x0], $0xffff  }
0x19a: {  	v54 =	vld [tilespmem:$0x1FB80];
	_ =	sdelay $0x1  }
0x19b: {  	v51 =	vld [tilespmem:$0x1FB50];
	_ =	sdelay $0x1  }
0x19c: {  	v43 =	vadd.f32 v47, v43;
	v44 =	vadd.f32 v48, v44;
	v48 =	vld.idx.msk [tilespmem:v52+s5+$0x0], $0xffff  }
0x19d: {  	v52 =	vld [tilespmem:$0x1FBA0]  }
0x19e: {  	v43 =	vadd.f32 v49, v43;
	v49 =	vld.idx.msk [tilespmem:v53+s5+$0x0], $0xffff  }
0x19f: {  	v53 =	vld [tilespmem:$0x1FBB0]  }
0x1a0: {  	v44 =	vadd.f32 v50, v44;
	v50 =	vld.idx.msk [tilespmem:v54+s5+$0x0], $0xffff  }
0x1a1: {  	v54 =	vld [tilespmem:$0x1FBC0]  }
0x1a2: {  	v47 =	vld.idx.msk [tilespmem:v51+s5+$0x0], $0xffff;
	_ =	sdelay $0x1  }
0x1a3: {  	v51 =	vld [tilespmem:$0x1FB90]  }
0x1a4: {  	v43 =	vadd.f32 v45, v43;
	v44 =	vadd.f32 v46, v44;
	v46 =	vld.idx.msk [tilespmem:v52+s5+$0x0], $0xffff  }
0x1a5: {  	v52 =	vld [tilespmem:$0x1FBD0]  }
0x1a6: {  	v43 =	vadd.f32 v47, v43;
	v47 =	vld.idx.msk [tilespmem:v53+s5+$0x0], $0xffff  }
0x1a7: {  	v53 =	vld [tilespmem:$0x1FBE0]  }
0x1a8: {  	v44 =	vadd.f32 v48, v44;
	v48 =	vld.idx.msk [tilespmem:v54+s5+$0x0], $0xffff  }
0x1a9: {  	v54 =	vld [tilespmem:$0x1FBF0];
	_ =	sdelay $0x2  }
0x1aa: {  	v45 =	vld.idx.msk [tilespmem:v51+s5+$0x0], $0xffff  }
0x1ab: {  	v43 =	vadd.f32 v49, v43;
	v49 =	vld.idx.msk [tilespmem:v52+s5+$0x0], $0xffff  }
0x1ac: {  	v52 =	vld [tilespmem:$0x1FC10]  }
0x1ad: {  	v44 =	vadd.f32 v50, v44;
	v50 =	vld.idx.msk [tilespmem:v53+s5+$0x0], $0xffff  }
0x1ae: {  	v53 =	vld [tilespmem:$0x1FC20]  }
0x1af: {  	v43 =	vadd.f32 v45, v43;
	v45 =	vld.idx.msk [tilespmem:v54+s5+$0x0], $0xffff  }
0x1b0: {  	v54 =	vld [tilespmem:$0x1FC30];
	_ =	sdelay $0x2  }
0x1b1: {  	v51 =	vld [tilespmem:$0x1FC00]  }
0x1b2: {  	v44 =	vadd.f32 v46, v44;
	v43 =	vadd.f32 v47, v43;
	v47 =	vld.idx.msk [tilespmem:v52+s5+$0x0], $0xffff  }
0x1b3: {  	v52 =	vld [tilespmem:$0x1FC40]  }
0x1b4: {  	v44 =	vadd.f32 v48, v44;
	v48 =	vld.idx.msk [tilespmem:v53+s5+$0x0], $0xffff  }
0x1b5: {  	v53 =	vld [tilespmem:$0x1FC50]  }
0x1b6: {  	v43 =	vadd.f32 v49, v43;
	v49 =	vld.idx.msk [tilespmem:v54+s5+$0x0], $0xffff  }
0x1b7: {  	v54 =	vld [tilespmem:$0x1FC60];
	_ =	sdelay $0x1  }
0x1b8: {  	v46 =	vld.idx.msk [tilespmem:v51+s5+$0x0], $0xffff  }
0x1b9: {  	v51 =	vld [tilespmem:$0x1FC70]  }
0x1ba: {  	v44 =	vadd.f32 v50, v44;
	v50 =	vld.idx.msk [tilespmem:v52+s5+$0x0], $0xffff  }
0x1bb: {  	v52 =	vld [tilespmem:$0x1FC80]  }
0x1bc: {  	v43 =	vadd.f32 v45, v43;
	v45 =	vld.idx.msk [tilespmem:v53+s5+$0x0], $0xffff  }
0x1bd: {  	v53 =	vld [tilespmem:$0x1FC90]  }
0x1be: {  	v44 =	vadd.f32 v46, v44;
	v46 =	vld.idx.msk [tilespmem:v54+s5+$0x0], $0xffff  }
0x1bf: {  	v54 =	vld [tilespmem:$0x1FCA0];
	_ =	sdelay $0x3  }
0x1c0: {  	v43 =	vadd.f32 v47, v43  }
0x1c1: {  	v47 =	vld.idx.msk [tilespmem:v51+s5+$0x0], $0xffff;
	v44 =	vadd.f32 v48, v44  }
0x1c2: {  	v43 =	vadd.f32 v49, v43;
	v48 =	vld.idx.msk [tilespmem:v52+s5+$0x0], $0xffff  }
0x1c3: {  	v44 =	vadd.f32 v50, v44;
	v49 =	vld.idx.msk [tilespmem:v53+s5+$0x0], $0xffff  }
0x1c4: {  	v43 =	vadd.f32 v45, v43;
	v50 =	vld.idx.msk [tilespmem:v54+s5+$0x0], $0xffff  }
0x1c5: {  	v44 =	vadd.f32 v46, v44  }
0x1c6: {  	v43 =	vadd.f32 v47, v43  }
0x1c7: {  	v44 =	vadd.f32 v48, v44;
	v48 =	vld [tilespmem:$0x1FCB0]  }
0x1c8: {  	v43 =	vadd.f32 v49, v43;
	v49 =	vld [tilespmem:$0x1FCC0]  }
0x1c9: {  	v44 =	vadd.f32 v50, v44;
	v50 =	vld [tilespmem:$0x1FCD0];
	_ =	sdelay $0x1  }
0x1ca: {  	v51 =	vld [tilespmem:$0x1FCE0];
	_ =	sdelay $0x1  }
0x1cb: {  	v52 =	vld [tilespmem:$0x1FCF0];
	v43 =	vmul.f32 $4.999999890e-03, v43  }
0x1cc: {  	v53 =	vld [tilespmem:$0x1FD00];
	v44 =	vmul.f32 $4.999999890e-03, v44  }
0x1cd: {  	[tilespmem:v48+s6+$0x0] =	vst.idx.msk $0xffff, v43  }
0x1ce: {  	v54 =	vld [tilespmem:$0x1FD10];
	[tilespmem:v49+s6+$0x0] =	vst.idx.msk $0xf, v44  }
0x1cf: {  	v43 =	vld.idx.msk [tilespmem:v50+s5+$0x0], $0xffff  }
0x1d0: {  	v48 =	vld [tilespmem:$0x1FD20]  }
0x1d1: {  	v44 =	vld.idx.msk [tilespmem:v51+s5+$0x0], $0xffff  }
0x1d2: {  	v49 =	vld [tilespmem:$0x1FD30]  }
0x1d3: {  	v45 =	vld.idx.msk [tilespmem:v52+s5+$0x0], $0xffff  }
0x1d4: {  	v46 =	vld.idx.msk [tilespmem:v53+s5+$0x0], $0xffff;
	v43 =	vadd.f32 $0.0e+00, v43  }
0x1d5: {  	v50 =	vld [tilespmem:$0x1FD40]  }
0x1d6: {  	v51 =	vld [tilespmem:$0x1FD50];
	v43 =	vadd.f32 v44, v43  }
0x1d7: {  	v44 =	vld.idx.msk [tilespmem:v54+s5+$0x0], $0xffff  }
0x1d8: {  	v52 =	vld [tilespmem:$0x1FD60];
	v43 =	vadd.f32 v45, v43  }
0x1d9: {  	v45 =	vld.idx.msk [tilespmem:v48+s5+$0x0], $0xffff  }
0x1da: {  	v53 =	vld [tilespmem:$0x1FD70];
	v43 =	vadd.f32 v46, v43  }
0x1db: {  	v46 =	vld.idx.msk [tilespmem:v49+s5+$0x0], $0xffff  }
0x1dc: {  	v54 =	vld [tilespmem:$0x1FD80];
	v43 =	vadd.f32 v44, v43  }
0x1dd: {  	v44 =	vld.idx.msk [tilespmem:v50+s5+$0x0], $0xffff  }
0x1de: {  	v48 =	vld [tilespmem:$0x1FD90];
	v43 =	vadd.f32 v45, v43  }
0x1df: {  	v45 =	vld.idx.msk [tilespmem:v51+s5+$0x0], $0xffff  }
0x1e0: {  	v49 =	vld [tilespmem:$0x1FDA0];
	v43 =	vadd.f32 v46, v43  }
0x1e1: {  	v46 =	vld.idx.msk [tilespmem:v52+s5+$0x0], $0xffff  }
0x1e2: {  	v50 =	vld [tilespmem:$0x1FDB0];
	v43 =	vadd.f32 v44, v43  }
0x1e3: {  	v44 =	vld.idx.msk [tilespmem:v53+s5+$0x0], $0xffff  }
0x1e4: {  	v51 =	vld [tilespmem:$0x1FDC0];
	v43 =	vadd.f32 v45, v43  }
0x1e5: {  	v45 =	vld.idx.msk [tilespmem:v54+s5+$0x0], $0xffff  }
0x1e6: {  	v43 =	vadd.f32 v46, v43  }
0x1e7: {  	v46 =	vld.idx.msk [tilespmem:v48+s5+$0x0], $0xffff  }
0x1e8: {  	v43 =	vadd.f32 v44, v43  }
0x1e9: {  	v44 =	vld.idx.msk [tilespmem:v49+s5+$0x0], $0xffff  }
0x1ea: {  	v52 =	vld [tilespmem:$0x1FDD0];
	v43 =	vadd.f32 v45, v43  }
0x1eb: {  	v45 =	vld.idx.msk [tilespmem:v50+s5+$0x0], $0xffff  }
0x1ec: {  	v53 =	vld [tilespmem:$0x1FDE0];
	v43 =	vadd.f32 v46, v43  }
0x1ed: {  	v46 =	vld.idx.msk [tilespmem:v51+s5+$0x0], $0xffff  }
0x1ee: {  	v43 =	vadd.f32 v44, v43  }
0x1ef: {  	v54 =	vld [tilespmem:$0x1FDF0]  }
0x1f0: {  	v43 =	vadd.f32 v45, v43  }
0x1f1: {  	v48 =	vld [tilespmem:$0x1FE00]  }
0x1f2: {  	v49 =	vld [tilespmem:$0x1FE10];
	v43 =	vadd.f32 v46, v43;
	_ =	sdelay $0x1  }
0x1f3: {  	v50 =	vld [tilespmem:$0x1FE20];
	[tilespmem:v52+s6+$0x0] =	vst.idx.msk $0xff, v43  }
0x1f4: {  	v43 =	vld.idx.msk [tilespmem:v53+s5+$0x0], $0xffff  }
0x1f5: {  	v51 =	vld [tilespmem:$0x1FE30]  }
0x1f6: {  	v44 =	vld.idx.msk [tilespmem:v54+s5+$0x0], $0xffff  }
0x1f7: {  	v52 =	vld [tilespmem:$0x1FE40]  }
0x1f8: {  	v45 =	vld.idx.msk [tilespmem:v48+s5+$0x0], $0xffff  }
0x1f9: {  	v46 =	vld.idx.msk [tilespmem:v49+s5+$0x0], $0xffff;
	v43 =	vadd.f32 $0.0e+00, v43  }
0x1fa: {  	v53 =	vld [tilespmem:$0x1FE50]  }
0x1fb: {  	v54 =	vld [tilespmem:$0x1FE60];
	v43 =	vadd.f32 v44, v43  }
0x1fc: {  	v44 =	vld.idx.msk [tilespmem:v50+s5+$0x0], $0xffff  }
0x1fd: {  	v48 =	vld [tilespmem:$0x1FE70];
	v43 =	vadd.f32 v45, v43  }
0x1fe: {  	v45 =	vld.idx.msk [tilespmem:v51+s5+$0x0], $0xffff  }
0x1ff: {  	v49 =	vld [tilespmem:$0x1FE80];
	v43 =	vadd.f32 v46, v43  }
0x200: {  	v46 =	vld.idx.msk [tilespmem:v52+s5+$0x0], $0xffff  }
0x201: {  	v50 =	vld [tilespmem:$0x1FE90];
	v43 =	vadd.f32 v44, v43  }
0x202: {  	v44 =	vld.idx.msk [tilespmem:v53+s5+$0x0], $0xffff  }
0x203: {  	v51 =	vld [tilespmem:$0x1FEA0];
	v43 =	vadd.f32 v45, v43  }
0x204: {  	v45 =	vld.idx.msk [tilespmem:v54+s5+$0x0], $0xffff  }
0x205: {  	v52 =	vld [tilespmem:$0x1FEB0];
	v43 =	vadd.f32 v46, v43  }
0x206: {  	v46 =	vld.idx.msk [tilespmem:v48+s5+$0x0], $0xffff  }
0x207: {  	v53 =	vld [tilespmem:$0x1FEC0];
	v43 =	vadd.f32 v44, v43  }
0x208: {  	v44 =	vld.idx.msk [tilespmem:v49+s5+$0x0], $0xffff  }
0x209: {  	v54 =	vld [tilespmem:$0x1FED0];
	v43 =	vadd.f32 v45, v43  }
0x20a: {  	v45 =	vld.idx.msk [tilespmem:v50+s5+$0x0], $0xffff  }
0x20b: {  	v43 =	vadd.f32 v46, v43  }
0x20c: {  	v46 =	vld.idx.msk [tilespmem:v51+s5+$0x0], $0xffff  }
0x20d: {  	v43 =	vadd.f32 v44, v43  }
0x20e: {  	v44 =	vld.idx.msk [tilespmem:v52+s5+$0x0], $0xffff  }
0x20f: {  	v43 =	vadd.f32 v45, v43  }
0x210: {  	v45 =	vld.idx.msk [tilespmem:v53+s5+$0x0], $0xffff  }
0x211: {  	v43 =	vadd.f32 v46, v43  }
0x212: {  	v46 =	vld.idx.msk [tilespmem:v54+s5+$0x0], $0xffff  }
0x213: {  	v43 =	vadd.f32 v44, v43  }
0x214: {  	v52 =	vld [tilespmem:$0x1FF20]  }
0x215: {  	v43 =	vadd.f32 v45, v43  }
0x216: {  	v48 =	vld [tilespmem:$0x1FEE0]  }
0x217: {  	v49 =	vld [tilespmem:$0x1FEF0];
	v43 =	vadd.f32 v46, v43  }
0x218: {  	v53 =	vld [tilespmem:$0x1FF30]  }
0x219: {  	v50 =	vld [tilespmem:$0x1FF00];
	v43 =	vmul.f32 $1.999999960e-02, v43  }
0x21a: {  	v51 =	vld [tilespmem:$0x1FF10]  }
0x21b: {  	v54 =	vld [tilespmem:$0x1FF40];
	[tilespmem:v33+s6+$0x0] =	vst.idx.msk $0x3ff, v43  }
0x21c: {  	v47 =	vld.idx.msk [tilespmem:v52+s5+$0x0], $0xffff  }
0x21d: {  	v52 =	vld [tilespmem:$0x1FF50]  }
0x21e: {  	v43 =	vld.idx.msk [tilespmem:v48+s5+$0x0], $0xffff  }
0x21f: {  	v44 =	vld.idx.msk [tilespmem:v49+s5+$0x0], $0xffff  }
0x220: {  	v48 =	vld.idx.msk [tilespmem:v53+s5+$0x0], $0xffff  }
0x221: {  	v53 =	vld [tilespmem:$0x1FF60]  }
0x222: {  	v45 =	vld.idx.msk [tilespmem:v50+s5+$0x0], $0xffff  }
0x223: {  	v49 =	vld.idx.msk [tilespmem:v54+s5+$0x0], $0xffff  }
0x224: {  	v54 =	vld [tilespmem:$0x1FF70]  }
0x225: {  	v50 =	vld.idx.msk [tilespmem:v52+s5+$0x0], $0xffff  }
0x226: {  	v43 =	vadd.f32 $0.0e+00, v43;
	v52 =	vld [tilespmem:$0x1FF80]  }
0x227: {  	v46 =	vld.idx.msk [tilespmem:v51+s5+$0x0], $0xffff  }
0x228: {  	v43 =	vadd.f32 v44, v43  }
0x229: {  	v44 =	vld.idx.msk [tilespmem:v53+s5+$0x0], $0xffff  }
0x22a: {  	v53 =	vld [tilespmem:$0x1FFA0];
	v43 =	vadd.f32 v45, v43;
	_ =	sdelay $0x1  }
0x22b: {  	v51 =	vld.idx.msk [tilespmem:v54+s5+$0x0], $0xffff;
	v43 =	vadd.f32 v46, v43  }
0x22c: {  	v54 =	vld [tilespmem:$0x1FFC0]  }
0x22d: {  	v43 =	vadd.f32 v47, v43;
	v45 =	vld.idx.msk [tilespmem:v52+s5+$0x0], $0xffff  }
0x22e: {  	v52 =	vld [tilespmem:$0x1FF90]  }
0x22f: {  	v43 =	vadd.f32 v48, v43;
	_ =	sdelay $0x1  }
0x230: {  	v46 =	vld.idx.msk [tilespmem:v53+s5+$0x0], $0xffff;
	v43 =	vadd.f32 v49, v43  }
0x231: {  	v53 =	vld [tilespmem:$0x1FFB0]  }
0x232: {  	v43 =	vadd.f32 v50, v43  }
0x233: {  	v47 =	vld.idx.msk [tilespmem:v54+s5+$0x0], $0xffff  }
0x234: {  	v54 =	vld [tilespmem:$0x1FFD0];
	v43 =	vadd.f32 v44, v43  }
0x235: {  	v52 =	vld.idx.msk [tilespmem:v52+s5+$0x0], $0xffff  }
0x236: {  	v43 =	vadd.f32 v51, v43;
	_ =	sdelay $0x1  }
0x237: {  	v43 =	vadd.f32 v45, v43  }
0x238: {  	v53 =	vld.idx.msk [tilespmem:v53+s5+$0x0], $0xffff  }
0x239: {  	v43 =	vadd.f32 v52, v43;
	_ =	sdelay $0x1  }
0x23a: {  	v43 =	vadd.f32 v46, v43  }
0x23b: {  	v54 =	vld.idx.msk [tilespmem:v54+s5+$0x0], $0xffff  }
0x23c: {  	v52 =	vld [tilespmem:$0x1FFE0];
	v43 =	vadd.f32 v53, v43  }
0x23d: {  	v53 =	vld [tilespmem:$0x1FFF0]  }
0x23e: {  	v43 =	vadd.f32 v47, v43;
	_ =	sdelay $0x1  }
0x23f: {  	v43 =	vadd.f32 v54, v43;
	_ =	sdelay $0x1  }
0x240: {  	v43 =	vmul.f32 $2.000000030e-01, v43;
	_ =	sdelay $0x1  }
0x241: {  	[tilespmem:v52+s6+$0x0] =	vst.idx.msk $0x7fff, v43  }
0x242: {  	v43 =	vld.idx.msk [tilespmem:v53+s5+$0x0], $0xffff;
	_ =	sdelay $0x1  }
0x243: {  	v44 =	vld.idx.msk [tilespmem:v57+s5+$0x0], $0xffff;
	_ =	sdelay $0x1  }
0x244: {  	v54 =	vld.idx.msk [tilespmem:v58+s5+$0x0], $0xffff  }
0x245: {  	v43 =	vadd.f32 $0.0e+00, v43  }
0x246: {  	v46 =	vld.idx.msk [tilespmem:v55+s5+$0x0], $0xffff  }
0x247: {  	v43 =	vadd.f32 v44, v43  }
0x248: {  	v47 =	vld.idx.msk [tilespmem:v59+s5+$0x0], $0xffff  }
0x249: {  	v43 =	vadd.f32 v54, v43  }
0x24a: {  	v48 =	vld.idx.msk [tilespmem:v56+s5+$0x0], $0xffff  }
0x24b: {  	v43 =	vadd.f32 v46, v43  }
0x24c: {  	v49 =	vld.idx.msk [tilespmem:v60+s5+$0x0], $0xffff  }
0x24d: {  	v43 =	vadd.f32 v47, v43  }
0x24e: {  	v50 =	vld.idx.msk [tilespmem:v61+s5+$0x0], $0xffff  }
0x24f: {  	v43 =	vadd.f32 v48, v43  }
0x250: {  	v44 =	vld.idx.msk [tilespmem:v62+s5+$0x0], $0xffff  }
0x251: {  	v43 =	vadd.f32 v49, v43  }
0x252: {  	v51 =	vld.idx.msk [tilespmem:v63+s5+$0x0], $0xffff  }
0x253: {  	v43 =	vadd.f32 v50, v43  }
0x254: {  	v45 =	vld.idx.msk [tilespmem:v2+s5+$0x0], $0xffff  }
0x255: {  	v43 =	vadd.f32 v44, v43  }
0x256: {  	v52 =	vld.idx.msk [tilespmem:v3+s5+$0x0], $0xffff  }
0x257: {  	v43 =	vadd.f32 v51, v43  }
0x258: {  	v46 =	vld.idx.msk [tilespmem:v4+s5+$0x0], $0xffff  }
0x259: {  	v43 =	vadd.f32 v45, v43  }
0x25a: {  	v53 =	vld.idx.msk [tilespmem:v5+s5+$0x0], $0xffff  }
0x25b: {  	v43 =	vadd.f32 v52, v43  }
0x25c: {  	v47 =	vld.idx.msk [tilespmem:v6+s5+$0x0], $0xffff  }
0x25d: {  	v43 =	vadd.f32 v46, v43  }
0x25e: {  	v54 =	vld.idx.msk [tilespmem:v7+s5+$0x0], $0xffff  }
0x25f: {  	v43 =	vadd.f32 v53, v43;
	_ =	sdelay $0x1  }
0x260: {  	v43 =	vadd.f32 v47, v43;
	_ =	sdelay $0x1  }
0x261: {  	v43 =	vadd.f32 v54, v43;
	_ =	sdelay $0x1  }
0x262: {  	v43 =	vmul.f32 $2.000000030e-01, v43;
	_ =	sdelay $0x1  }
0x263: {  	[tilespmem:v8+s6+$0x0] =	vst.idx.msk $0x3ff, v43  }
0x264: {  	v43 =	vld.idx.msk [tilespmem:v9+s5+$0x0], $0xffff;
	_ =	sdelay $0x1  }
0x265: {  	v53 =	vld.idx.msk [tilespmem:v10+s5+$0x0], $0xffff;
	_ =	sdelay $0x1  }
0x266: {  	v54 =	vld.idx.msk [tilespmem:v11+s5+$0x0], $0xffff  }
0x267: {  	v43 =	vadd.f32 $0.0e+00, v43  }
0x268: {  	v46 =	vld.idx.msk [tilespmem:v12+s5+$0x0], $0xffff  }
0x269: {  	v43 =	vadd.f32 v53, v43  }
0x26a: {  	v47 =	vld.idx.msk [tilespmem:v13+s5+$0x0], $0xffff  }
0x26b: {  	v43 =	vadd.f32 v54, v43  }
0x26c: {  	v48 =	vld.idx.msk [tilespmem:v14+s5+$0x0], $0xffff  }
0x26d: {  	v43 =	vadd.f32 v46, v43  }
0x26e: {  	v49 =	vld.idx.msk [tilespmem:v15+s5+$0x0], $0xffff  }
0x26f: {  	v43 =	vadd.f32 v47, v43  }
0x270: {  	v50 =	vld.idx.msk [tilespmem:v16+s5+$0x0], $0xffff  }
0x271: {  	v43 =	vadd.f32 v48, v43  }
0x272: {  	v44 =	vld.idx.msk [tilespmem:v17+s5+$0x0], $0xffff  }
0x273: {  	v43 =	vadd.f32 v49, v43  }
0x274: {  	v51 =	vld.idx.msk [tilespmem:v18+s5+$0x0], $0xffff  }
0x275: {  	v43 =	vadd.f32 v50, v43  }
0x276: {  	v45 =	vld.idx.msk [tilespmem:v19+s5+$0x0], $0xffff  }
0x277: {  	v43 =	vadd.f32 v44, v43  }
0x278: {  	v52 =	vld.idx.msk [tilespmem:v20+s5+$0x0], $0xffff  }
0x279: {  	v43 =	vadd.f32 v51, v43  }
0x27a: {  	v46 =	vld.idx.msk [tilespmem:v21+s5+$0x0], $0xffff  }
0x27b: {  	v43 =	vadd.f32 v45, v43  }
0x27c: {  	v53 =	vld.idx.msk [tilespmem:v22+s5+$0x0], $0xffff  }
0x27d: {  	v43 =	vadd.f32 v52, v43  }
0x27e: {  	v47 =	vld.idx.msk [tilespmem:v23+s5+$0x0], $0xffff  }
0x27f: {  	v43 =	vadd.f32 v46, v43  }
0x280: {  	v54 =	vld.idx.msk [tilespmem:v24+s5+$0x0], $0xffff  }
0x281: {  	v43 =	vadd.f32 v53, v43;
	_ =	sdelay $0x1  }
0x282: {  	v43 =	vadd.f32 v47, v43;
	_ =	sdelay $0x1  }
0x283: {  	v43 =	vadd.f32 v54, v43;
	_ =	sdelay $0x1  }
0x284: {  	v43 =	vmul.f32 $3.333333430e-01, v43;
	_ =	sdelay $0x1  }
0x285: {  	[tilespmem:v25+s6+$0x0] =	vst.idx.msk $0x3ff, v43  }
0x286: {  	v43 =	vld.idx.msk [tilespmem:v26+s5+$0x0], $0xffff;
	_ =	sdelay $0x1  }
0x287: {  	v53 =	vld.idx.msk [tilespmem:v27+s5+$0x0], $0xffff;
	_ =	sdelay $0x1  }
0x288: {  	v54 =	vld.idx.msk [tilespmem:v28+s5+$0x0], $0xffff  }
0x289: {  	v43 =	vadd.f32 $0.0e+00, v43  }
0x28a: {  	v46 =	vld.idx.msk [tilespmem:v29+s5+$0x0], $0xffff  }
0x28b: {  	v43 =	vadd.f32 v53, v43  }
0x28c: {  	v47 =	vld.idx.msk [tilespmem:v30+s5+$0x0], $0xffff  }
0x28d: {  	v43 =	vadd.f32 v54, v43  }
0x28e: {  	v48 =	vld.idx.msk [tilespmem:v31+s5+$0x0], $0xffff  }
0x28f: {  	v43 =	vadd.f32 v46, v43  }
0x290: {  	v49 =	vld.idx.msk [tilespmem:v0+s5+$0x0], $0xffff  }
0x291: {  	v43 =	vadd.f32 v47, v43  }
0x292: {  	v50 =	vld.idx.msk [tilespmem:v32+s5+$0x0], $0xffff  }
0x293: {  	v43 =	vadd.f32 v48, v43  }
0x294: {  	v44 =	vld.idx.msk [tilespmem:v34+s5+$0x0], $0xffff  }
0x295: {  	v43 =	vadd.f32 v49, v43  }
0x296: {  	v51 =	vld.idx.msk [tilespmem:v35+s5+$0x0], $0xffff  }
0x297: {  	v43 =	vadd.f32 v50, v43  }
0x298: {  	v45 =	vld.idx.msk [tilespmem:v36+s5+$0x0], $0xffff  }
0x299: {  	v43 =	vadd.f32 v44, v43  }
0x29a: {  	v52 =	vld.idx.msk [tilespmem:v37+s5+$0x0], $0xffff  }
0x29b: {  	v43 =	vadd.f32 v51, v43  }
0x29c: {  	v46 =	vld.idx.msk [tilespmem:v38+s5+$0x0], $0xffff  }
0x29d: {  	v43 =	vadd.f32 v45, v43  }
0x29e: {  	v53 =	vld.idx.msk [tilespmem:v39+s5+$0x0], $0xffff  }
0x29f: {  	v43 =	vadd.f32 v52, v43  }
0x2a0: {  	v47 =	vld.idx.msk [tilespmem:v40+s5+$0x0], $0xffff  }
0x2a1: {  	v43 =	vadd.f32 v46, v43  }
0x2a2: {  	v54 =	vld.idx.msk [tilespmem:v41+s5+$0x0], $0xffff  }
0x2a3: {  	v43 =	vadd.f32 v53, v43;
	_ =	sdelay $0x1  }
0x2a4: {  	v43 =	vadd.f32 v47, v43;
	_ =	sdelay $0x1  }
0x2a5: {  	p0 =	sne.s32 s7, $0x1;
	v43 =	vadd.f32 v54, v43  }
.Ltmp2:
0x2a6: {  	_ = 	snop;
	(pc) =	sbr.rel @p0 .LBB2_2-.Ltmp2, $4  }
0x2a7: {  	[tilespmem:v42+s6+$0x0] =	vst.idx.msk $0xffff, v43  }
0x2a8: {  	[hbm4b:s2+s5] =	stream.linear.scatter [tilespmem:s6], [sflag:$0x1], $0x80, $0x38;
	[tilespmem:$0x1080] =	vst v63  }
0x2a9: {  	_ =	swait.ge [sflag:s4], $0x80  }
0x2aa: {  	s7 =	sadd.s32 $0xFFFFFFFF, s7;
	[sflag:s4] =	ssyncset.done $0x0  }
.LBB2_3:
0x2ab: {  	[sflag:s4] =	ssyncadd.s32 $0xFFFFFF80  }
.LBB2_4:
0x2ac: {  	_ =	sfence.sel $0x180000  }
0x2ad: {  	[bflag:$0x0] =	sbarrier.arrive $0xFFFF  }
0x2ae: {  	p0 =	sne.s32 s0, $0x0;
	_ =	strace $0x9000004A  }
0x2af: {  	s0 =	sadd.s32 @!p0 $0x100000, s1;
	[bflag:$0x2] =	sbarrier.arrive $0xFFFF  }
0x2b0: {  	[sflag:s0] =	ssyncadd.tile.s32 @!p0 $0x1;
	_ =	shalt  }
.Lfunc_end2:
_tile_overlayer_lowered:
.L_overlay_start_2:
0x2b1: {  	(tag) =	ssettag $0x2  }
0x2b2: {  	s0 =	rddreg [dreg:$0x0];
	s2 =	stileid.u32  }
0x2b3: {  	s1 =	rddreg [dreg:$0x1];
	p0 =	sne.s32 s2, $0x0  }
0x2b4: {  	s3 =	rddreg [dreg:$0x2];
	[bflag:$0x3] =	sbarrier.arrive $0xFFFF;
	s2 =	simm.s32 @!p0 $0x1C01  }
0x2b5: {  	[timem:s3], [sflag:s2] =	dma.local @!p0 [hbm:s0], s1  }
0x2b6: {  	s0 =	simm.s32 @!p0 $0x1  }
0x2b7: {  	_ =	swait.ge @!p0 [sflag:s0], s1  }
0x2b8: {  	s1 =	ssub.s32 @!p0 $0x0, s1;
	[sflag:s0] =	ssyncset.done @!p0 $0x0  }
0x2b9: {  	[sflag:s0] =	ssyncadd.s32 @!p0 s1  }
0x2ba: {  	[bflag:$0x3] =	sbarrier.arrive $0xFFFF  }
0x2bb: {  	_ =	shalt  }

</sc_bundles>
